<compile_context>
chip_gen: v7x
topology: tpu7x:2x2x1
jax: 0.10.2.dev20260603
libtpu: 0.0.44.dev20260713+nightly
codegen_flags: <defaults>
</compile_context>

<pallas_src>
import functools

import jax
import jax.numpy as jnp
from jax import lax
from jax.experimental import pallas as pl
from jax.experimental.pallas import tpu as pltpu
from jax.experimental.pallas import tpu_sc as plsc

B = 16384
L = 50
VOCAB = 2000
EMB = 32
MAX_NORM = 50.0
H1 = 256
OUT = 10

N_IDX = B * L


def _renorm_body(tab_ref, out_ref):
    t = tab_ref[...]
    sq = jnp.sum(t * t, axis=1, keepdims=True)
    norm = jnp.sqrt(sq)
    scale = jnp.where(norm > MAX_NORM, MAX_NORM / jnp.maximum(norm, 1e-12), 1.0)
    out_ref[...] = t * scale


def _renorm_table(emb_table):
    return pl.pallas_call(
        _renorm_body,
        out_shape=jax.ShapeDtypeStruct((VOCAB, EMB), jnp.float32),
    )(emb_table)


_NC = 2
_NS = 16
_NW = _NC * _NS
_PER_W = N_IDX // _NW
_CH = 1600
_NCHUNK = _PER_W // _CH


def _gather_body(per_w, n_chunks, tab_hbm, idx_hbm, out_hbm, idx0, idx1,
                 rows0, rows1, gs0, gs1, os0, os1):
    wid = lax.axis_index("s") * _NC + lax.axis_index("c")
    base_w = wid * per_w
    idx = (idx0, idx1)
    rows = (rows0, rows1)
    gsem = (gs0, gs1)
    osem = (os0, os1)
    gath = [None, None]
    outc = [None, None]
    pltpu.sync_copy(idx_hbm.at[pl.ds(base_w, _CH)], idx[0])
    gath[0] = pltpu.async_copy(tab_hbm.at[idx[0]], rows[0], gsem[0])
    for j in range(n_chunks):
        b = j & 1
        nb = 1 - b
        if j + 1 < n_chunks:
            pltpu.sync_copy(
                idx_hbm.at[pl.ds(base_w + (j + 1) * _CH, _CH)], idx[nb])
            if outc[nb] is not None:
                outc[nb].wait()
            gath[nb] = pltpu.async_copy(tab_hbm.at[idx[nb]], rows[nb], gsem[nb])
        gath[b].wait()
        outc[b] = pltpu.async_copy(
            rows[b],
            out_hbm.at[pl.ds(base_w + j * _CH, _CH)],
            osem[b])
    if n_chunks > 1:
        outc[(n_chunks - 2) & 1].wait()
    outc[(n_chunks - 1) & 1].wait()


def _sc_gather(table, idx_flat, n_idx):
    per_w = n_idx // _NW
    n_chunks = per_w // _CH
    mesh = plsc.VectorSubcoreMesh(core_axis_name="c", subcore_axis_name="s")
    return pl.kernel(
        functools.partial(_gather_body, per_w, n_chunks),
        out_type=jax.ShapeDtypeStruct((n_idx, EMB), jnp.float32),
        mesh=mesh,
        scratch_types=[
            pltpu.VMEM((_CH,), jnp.int32),
            pltpu.VMEM((_CH,), jnp.int32),
            pltpu.VMEM((_CH, EMB), jnp.float32),
            pltpu.VMEM((_CH, EMB), jnp.float32),
            pltpu.SemaphoreType.DMA,
            pltpu.SemaphoreType.DMA,
            pltpu.SemaphoreType.DMA,
            pltpu.SemaphoreType.DMA,
        ],
        compiler_params=pltpu.CompilerParams(use_tc_tiling_on_sc=False),
    )(table, idx_flat)


_TB = 512


def _mlp_body(e_ref, w1_ref, b1_ref, w2_ref, b2_ref, out_ref):
    h = jnp.dot(e_ref[...], w1_ref[...], preferred_element_type=jnp.float32)
    h = jnp.maximum(h + b1_ref[...], 0.0)
    logits = jnp.dot(h, w2_ref[...], preferred_element_type=jnp.float32)
    logits = logits + b2_ref[...]
    m = jnp.max(logits, axis=1, keepdims=True)
    ex = jnp.exp(logits - m)
    out_ref[...] = ex / jnp.sum(ex, axis=1, keepdims=True)


def _mlp(e_flat, W1, b1, W2, b2):
    nb = e_flat.shape[0]
    grid = (nb // _TB,)
    return pl.pallas_call(
        _mlp_body,
        grid=grid,
        in_specs=[
            pl.BlockSpec((_TB, L * EMB), lambda i: (i, 0)),
            pl.BlockSpec((L * EMB, H1), lambda i: (0, 0)),
            pl.BlockSpec((1, H1), lambda i: (0, 0)),
            pl.BlockSpec((H1, OUT), lambda i: (0, 0)),
            pl.BlockSpec((1, OUT), lambda i: (0, 0)),
        ],
        out_specs=pl.BlockSpec((_TB, OUT), lambda i: (i, 0)),
        out_shape=jax.ShapeDtypeStruct((nb, OUT), jnp.float32),
    )(e_flat, W1, b1, W2, b2)


_SLICES = (2048, 4096, 5120, 5120)


def kernel(x, emb_table, W1, b1, W2, b2):
    table = _renorm_table(emb_table.astype(jnp.float32))
    idx_flat = x.reshape(-1).astype(jnp.int32)
    b1r = b1.reshape(1, H1)
    b2r = b2.reshape(1, OUT)
    outs = []
    off = 0
    for ns in _SLICES:
        nh = ns * L
        e = _sc_gather(table, lax.slice(idx_flat, (off,), (off + nh,)), nh)
        e_flat = e.reshape(ns, L * EMB)
        outs.append(_mlp(e_flat, W1, b1r, W2, b2r))
        off += nh
    return jnp.concatenate(outs, axis=0)

# --- scband reference (transcript-rebuilt; emitter-appended) ---
"""Pipeline reference for scband-recruitment1-87144886436604 (READ-ONLY COPY).

The authoritative reference and input builder live on the scoring server;
editing this copy changes nothing except your own understanding.
"""

import jax, jax.numpy as jnp
import numpy as np

B = 16384
L = 50
VOCAB = 2000
EMB = 32
MAX_NORM = 50.0
H1 = 256
OUT = 10


def setup_inputs(seed: int = 0) -> dict:
    key = jax.random.key(seed)
    k1, k2, k3, k4, k5, k6 = jax.random.split(key, 6)
    x = jax.random.randint(k1, (B, L), 0, VOCAB, dtype=jnp.int64 if jax.config.read('jax_enable_x64') else jnp.int32)
    emb_table = jax.random.normal(k2, (VOCAB, EMB), dtype=jnp.float32) * 0.05
    W1 = jax.random.normal(k3, (L * EMB, H1), dtype=jnp.float32) * 0.02
    b1 = jnp.zeros((H1,), dtype=jnp.float32)
    W2 = jax.random.normal(k4, (H1, OUT), dtype=jnp.float32) * 0.05
    b2 = jnp.zeros((OUT,), dtype=jnp.float32)
    return {"x": x, "emb_table": emb_table, "W1": W1, "b1": b1, "W2": W2, "b2": b2}


def reference(x, emb_table, W1, b1, W2, b2):
    # nn.Embedding(2000, 32, max_norm=50): gather then renorm rows whose L2 norm exceeds max_norm
    e = jnp.take(emb_table, x, axis=0)  # [B, L, EMB]
    norms = jnp.linalg.norm(e, axis=-1, keepdims=True)
    e = jnp.where(norms > MAX_NORM, e * (MAX_NORM / jnp.maximum(norms, 1e-12)), e)
    # Dropout(0.2) -> identity in eval mode
    h = e.reshape(e.shape[0], -1)  # Flatten -> [B, 1600]
    h = jnp.maximum(h @ W1 + b1, 0.0)  # Linear(1600, 256) + ReLU
    # Dropout(0.3) -> identity in eval mode
    logits = h @ W2 + b2  # Linear(256, 10)
    return jax.nn.softmax(logits, axis=-1)  # nn.Softmax() on 2D input -> dim=1

if __name__ == "__main__":
    import jax
    _d = setup_inputs()
    print(jax.jit(kernel)(*tuple(_d.values())))

</pallas_src>

<mosaic_0001>
#map = affine_map<(d0, d1) -> (0, 0)>
#map1 = affine_map<(d0, d1) -> (0)>
module attributes {stable_mosaic.version = 14 : i64} {
  func.func @_gather_body(%arg0: i32, %arg1: i32, %arg2: memref<2000x32xf32, #tpu.memory_space<hbm>>, %arg3: memref<256000xi32, #tpu.memory_space<hbm>>, %arg4: memref<256000x32xf32, #tpu.memory_space<hbm>>, %arg5: memref<1600xi32, #tpu.memory_space<vmem>>, %arg6: memref<1600xi32, #tpu.memory_space<vmem>>, %arg7: memref<1600x32xf32, #tpu.memory_space<vmem>>, %arg8: memref<1600x32xf32, #tpu.memory_space<vmem>>, %arg9: memref<!tpu.dma_semaphore, #tpu.memory_space<semaphore_mem>>, %arg10: memref<!tpu.dma_semaphore, #tpu.memory_space<semaphore_mem>>, %arg11: memref<!tpu.dma_semaphore, #tpu.memory_space<semaphore_mem>>, %arg12: memref<!tpu.dma_semaphore, #tpu.memory_space<semaphore_mem>>) attributes {dimension_semantics = [#tpu.dimension_semantics<core_parallel>, #tpu.dimension_semantics<subcore_parallel>], iteration_bounds = array<i64: 2, 16>, scalar_prefetch = 0 : i64, scratch_operands = 8 : i64, tpu.core_type = #tpu.core_type<sc_vector_subcore>, window_params = [{transform_indices = #map}, {transform_indices = #map1}, {transform_indices = #map}]} {
    %mul3A = arith.constant 2 : i32
    %mul3A_0 = arith.muli %arg1, %mul3A : i32
    %add3A = arith.addi %mul3A_0, %arg0 : i32
    %mul3A_1 = arith.constant 8000 : i32
    %mul3A_2 = arith.muli %add3A, %mul3A_1 : i32
    "tpu.region"() ({
      %run_scoped3A = tpu.sem_alloc : memref<!tpu.dma_semaphore, #tpu.memory_space<semaphore_mem>>
      %dma_start3A_89 = tpu.memref_slice %arg3[%mul3A_2] : memref<256000xi32, #tpu.memory_space<hbm>> -> memref<1600xi32, #tpu.memory_space<hbm>>
      %dma_start3A_90 = tpu.memref_slice %arg3[%mul3A_2] : memref<256000xi32, #tpu.memory_space<hbm>> -> memref<1600xi32, #tpu.memory_space<hbm>>
      tpu.enqueue_dma source(%dma_start3A_90 : memref<1600xi32, #tpu.memory_space<hbm>>) target(%arg5 : memref<1600xi32, #tpu.memory_space<vmem>>) target_semaphore(%run_scoped3A : memref<!tpu.dma_semaphore, #tpu.memory_space<semaphore_mem>>)
      %dma_wait3A_91 = tpu.memref_slice %arg3[%mul3A_2] : memref<256000xi32, #tpu.memory_space<hbm>> -> memref<1600xi32, #tpu.memory_space<hbm>>
      %dma_wait3A_92 = tpu.memref_slice %arg3[%mul3A_2] : memref<256000xi32, #tpu.memory_space<hbm>> -> memref<1600xi32, #tpu.memory_space<hbm>>
      tpu.wait_dma2 semaphore(%run_scoped3A : memref<!tpu.dma_semaphore, #tpu.memory_space<semaphore_mem>>) src(%dma_wait3A_92 : memref<1600xi32, #tpu.memory_space<hbm>>) dst(%arg5 : memref<1600xi32, #tpu.memory_space<vmem>>)
      tpu.yield
    }) : () -> ()
    %dma_start3A = arith.constant 0 : i32
    %dma_start3A_3 = arith.constant 0 : i32
    %dma_start3A_4 = tpu.memref_slice %arg2[%dma_start3A, %dma_start3A_3] : memref<2000x32xf32, #tpu.memory_space<hbm>> -> memref<2000x32xf32, #tpu.memory_space<hbm>>
    tpu.enqueue_indirect_dma source(%dma_start3A_4 : memref<2000x32xf32, #tpu.memory_space<hbm>>) target(%arg7 : memref<1600x32xf32, #tpu.memory_space<vmem>>) offsets(%arg5 : memref<1600xi32, #tpu.memory_space<vmem>>) semaphore(%arg9 : memref<!tpu.dma_semaphore, #tpu.memory_space<semaphore_mem>>)
    %add3A_5 = arith.constant 1600 : i32
    %add3A_6 = arith.addi %mul3A_2, %add3A_5 : i32
    "tpu.region"() ({
      %run_scoped3A = tpu.sem_alloc : memref<!tpu.dma_semaphore, #tpu.memory_space<semaphore_mem>>
      %dma_start3A_89 = tpu.memref_slice %arg3[%add3A_6] : memref<256000xi32, #tpu.memory_space<hbm>> -> memref<1600xi32, #tpu.memory_space<hbm>>
      %dma_start3A_90 = tpu.memref_slice %arg3[%add3A_6] : memref<256000xi32, #tpu.memory_space<hbm>> -> memref<1600xi32, #tpu.memory_space<hbm>>
      tpu.enqueue_dma source(%dma_start3A_90 : memref<1600xi32, #tpu.memory_space<hbm>>) target(%arg6 : memref<1600xi32, #tpu.memory_space<vmem>>) target_semaphore(%run_scoped3A : memref<!tpu.dma_semaphore, #tpu.memory_space<semaphore_mem>>)
      %dma_wait3A_91 = tpu.memref_slice %arg3[%add3A_6] : memref<256000xi32, #tpu.memory_space<hbm>> -> memref<1600xi32, #tpu.memory_space<hbm>>
      %dma_wait3A_92 = tpu.memref_slice %arg3[%add3A_6] : memref<256000xi32, #tpu.memory_space<hbm>> -> memref<1600xi32, #tpu.memory_space<hbm>>
      tpu.wait_dma2 semaphore(%run_scoped3A : memref<!tpu.dma_semaphore, #tpu.memory_space<semaphore_mem>>) src(%dma_wait3A_92 : memref<1600xi32, #tpu.memory_space<hbm>>) dst(%arg6 : memref<1600xi32, #tpu.memory_space<vmem>>)
      tpu.yield
    }) : () -> ()
    %dma_start3A_7 = arith.constant 0 : i32
    %dma_start3A_8 = arith.constant 0 : i32
    %dma_start3A_9 = tpu.memref_slice %arg2[%dma_start3A_7, %dma_start3A_8] : memref<2000x32xf32, #tpu.memory_space<hbm>> -> memref<2000x32xf32, #tpu.memory_space<hbm>>
    tpu.enqueue_indirect_dma source(%dma_start3A_9 : memref<2000x32xf32, #tpu.memory_space<hbm>>) target(%arg8 : memref<1600x32xf32, #tpu.memory_space<vmem>>) offsets(%arg6 : memref<1600xi32, #tpu.memory_space<vmem>>) semaphore(%arg10 : memref<!tpu.dma_semaphore, #tpu.memory_space<semaphore_mem>>)
    %dma_wait3A = arith.constant 0 : i32
    %dma_wait3A_10 = arith.constant 0 : i32
    %dma_wait3A_11 = tpu.memref_slice %arg2[%dma_wait3A, %dma_wait3A_10] : memref<2000x32xf32, #tpu.memory_space<hbm>> -> memref<2000x32xf32, #tpu.memory_space<hbm>>
    tpu.wait_indirect_dma semaphore(%arg9 : memref<!tpu.dma_semaphore, #tpu.memory_space<semaphore_mem>>) src(%dma_wait3A_11 : memref<2000x32xf32, #tpu.memory_space<hbm>>) dst(%arg7 : memref<1600x32xf32, #tpu.memory_space<vmem>>)
    %add3A_12 = arith.constant 0 : i32
    %add3A_13 = arith.addi %mul3A_2, %add3A_12 : i32
    %dma_start3A_14 = arith.constant 0 : i32
    %dma_start3A_15 = tpu.memref_slice %arg4[%add3A_13, %dma_start3A_14] : memref<256000x32xf32, #tpu.memory_space<hbm>> -> memref<1600x32xf32, #tpu.memory_space<hbm>>
    %dma_start3A_16 = arith.constant 0 : i32
    %dma_start3A_17 = tpu.memref_slice %arg4[%add3A_13, %dma_start3A_16] : memref<256000x32xf32, #tpu.memory_space<hbm>> -> memref<1600x32xf32, #tpu.memory_space<hbm>>
    tpu.enqueue_dma source(%arg7 : memref<1600x32xf32, #tpu.memory_space<vmem>>) target(%dma_start3A_17 : memref<1600x32xf32, #tpu.memory_space<hbm>>) target_semaphore(%arg11 : memref<!tpu.dma_semaphore, #tpu.memory_space<semaphore_mem>>)
    %add3A_18 = arith.constant 3200 : i32
    %add3A_19 = arith.addi %mul3A_2, %add3A_18 : i32
    "tpu.region"() ({
      %run_scoped3A = tpu.sem_alloc : memref<!tpu.dma_semaphore, #tpu.memory_space<semaphore_mem>>
      %dma_start3A_89 = tpu.memref_slice %arg3[%add3A_19] : memref<256000xi32, #tpu.memory_space<hbm>> -> memref<1600xi32, #tpu.memory_space<hbm>>
      %dma_start3A_90 = tpu.memref_slice %arg3[%add3A_19] : memref<256000xi32, #tpu.memory_space<hbm>> -> memref<1600xi32, #tpu.memory_space<hbm>>
      tpu.enqueue_dma source(%dma_start3A_90 : memref<1600xi32, #tpu.memory_space<hbm>>) target(%arg5 : memref<1600xi32, #tpu.memory_space<vmem>>) target_semaphore(%run_scoped3A : memref<!tpu.dma_semaphore, #tpu.memory_space<semaphore_mem>>)
      %dma_wait3A_91 = tpu.memref_slice %arg3[%add3A_19] : memref<256000xi32, #tpu.memory_space<hbm>> -> memref<1600xi32, #tpu.memory_space<hbm>>
      %dma_wait3A_92 = tpu.memref_slice %arg3[%add3A_19] : memref<256000xi32, #tpu.memory_space<hbm>> -> memref<1600xi32, #tpu.memory_space<hbm>>
      tpu.wait_dma2 semaphore(%run_scoped3A : memref<!tpu.dma_semaphore, #tpu.memory_space<semaphore_mem>>) src(%dma_wait3A_92 : memref<1600xi32, #tpu.memory_space<hbm>>) dst(%arg5 : memref<1600xi32, #tpu.memory_space<vmem>>)
      tpu.yield
    }) : () -> ()
    %dma_wait3A_20 = arith.constant 0 : i32
    %dma_wait3A_21 = tpu.memref_slice %arg4[%add3A_13, %dma_wait3A_20] : memref<256000x32xf32, #tpu.memory_space<hbm>> -> memref<1600x32xf32, #tpu.memory_space<hbm>>
    %dma_wait3A_22 = arith.constant 0 : i32
    %dma_wait3A_23 = tpu.memref_slice %arg4[%add3A_13, %dma_wait3A_22] : memref<256000x32xf32, #tpu.memory_space<hbm>> -> memref<1600x32xf32, #tpu.memory_space<hbm>>
    tpu.wait_dma2 semaphore(%arg11 : memref<!tpu.dma_semaphore, #tpu.memory_space<semaphore_mem>>) src(%arg7 : memref<1600x32xf32, #tpu.memory_space<vmem>>) dst(%dma_wait3A_23 : memref<1600x32xf32, #tpu.memory_space<hbm>>)
    %dma_start3A_24 = arith.constant 0 : i32
    %dma_start3A_25 = arith.constant 0 : i32
    %dma_start3A_26 = tpu.memref_slice %arg2[%dma_start3A_24, %dma_start3A_25] : memref<2000x32xf32, #tpu.memory_space<hbm>> -> memref<2000x32xf32, #tpu.memory_space<hbm>>
    tpu.enqueue_indirect_dma source(%dma_start3A_26 : memref<2000x32xf32, #tpu.memory_space<hbm>>) target(%arg7 : memref<1600x32xf32, #tpu.memory_space<vmem>>) offsets(%arg5 : memref<1600xi32, #tpu.memory_space<vmem>>) semaphore(%arg9 : memref<!tpu.dma_semaphore, #tpu.memory_space<semaphore_mem>>)
    %dma_wait3A_27 = arith.constant 0 : i32
    %dma_wait3A_28 = arith.constant 0 : i32
    %dma_wait3A_29 = tpu.memref_slice %arg2[%dma_wait3A_27, %dma_wait3A_28] : memref<2000x32xf32, #tpu.memory_space<hbm>> -> memref<2000x32xf32, #tpu.memory_space<hbm>>
    tpu.wait_indirect_dma semaphore(%arg10 : memref<!tpu.dma_semaphore, #tpu.memory_space<semaphore_mem>>) src(%dma_wait3A_29 : memref<2000x32xf32, #tpu.memory_space<hbm>>) dst(%arg8 : memref<1600x32xf32, #tpu.memory_space<vmem>>)
    %add3A_30 = arith.constant 1600 : i32
    %add3A_31 = arith.addi %mul3A_2, %add3A_30 : i32
    %dma_start3A_32 = arith.constant 0 : i32
    %dma_start3A_33 = tpu.memref_slice %arg4[%add3A_31, %dma_start3A_32] : memref<256000x32xf32, #tpu.memory_space<hbm>> -> memref<1600x32xf32, #tpu.memory_space<hbm>>
    %dma_start3A_34 = arith.constant 0 : i32
    %dma_start3A_35 = tpu.memref_slice %arg4[%add3A_31, %dma_start3A_34] : memref<256000x32xf32, #tpu.memory_space<hbm>> -> memref<1600x32xf32, #tpu.memory_space<hbm>>
    tpu.enqueue_dma source(%arg8 : memref<1600x32xf32, #tpu.memory_space<vmem>>) target(%dma_start3A_35 : memref<1600x32xf32, #tpu.memory_space<hbm>>) target_semaphore(%arg12 : memref<!tpu.dma_semaphore, #tpu.memory_space<semaphore_mem>>)
    %add3A_36 = arith.constant 4800 : i32
    %add3A_37 = arith.addi %mul3A_2, %add3A_36 : i32
    "tpu.region"() ({
      %run_scoped3A = tpu.sem_alloc : memref<!tpu.dma_semaphore, #tpu.memory_space<semaphore_mem>>
      %dma_start3A_89 = tpu.memref_slice %arg3[%add3A_37] : memref<256000xi32, #tpu.memory_space<hbm>> -> memref<1600xi32, #tpu.memory_space<hbm>>
      %dma_start3A_90 = tpu.memref_slice %arg3[%add3A_37] : memref<256000xi32, #tpu.memory_space<hbm>> -> memref<1600xi32, #tpu.memory_space<hbm>>
      tpu.enqueue_dma source(%dma_start3A_90 : memref<1600xi32, #tpu.memory_space<hbm>>) target(%arg6 : memref<1600xi32, #tpu.memory_space<vmem>>) target_semaphore(%run_scoped3A : memref<!tpu.dma_semaphore, #tpu.memory_space<semaphore_mem>>)
      %dma_wait3A_91 = tpu.memref_slice %arg3[%add3A_37] : memref<256000xi32, #tpu.memory_space<hbm>> -> memref<1600xi32, #tpu.memory_space<hbm>>
      %dma_wait3A_92 = tpu.memref_slice %arg3[%add3A_37] : memref<256000xi32, #tpu.memory_space<hbm>> -> memref<1600xi32, #tpu.memory_space<hbm>>
      tpu.wait_dma2 semaphore(%run_scoped3A : memref<!tpu.dma_semaphore, #tpu.memory_space<semaphore_mem>>) src(%dma_wait3A_92 : memref<1600xi32, #tpu.memory_space<hbm>>) dst(%arg6 : memref<1600xi32, #tpu.memory_space<vmem>>)
      tpu.yield
    }) : () -> ()
    %dma_wait3A_38 = arith.constant 0 : i32
    %dma_wait3A_39 = tpu.memref_slice %arg4[%add3A_31, %dma_wait3A_38] : memref<256000x32xf32, #tpu.memory_space<hbm>> -> memref<1600x32xf32, #tpu.memory_space<hbm>>
    %dma_wait3A_40 = arith.constant 0 : i32
    %dma_wait3A_41 = tpu.memref_slice %arg4[%add3A_31, %dma_wait3A_40] : memref<256000x32xf32, #tpu.memory_space<hbm>> -> memref<1600x32xf32, #tpu.memory_space<hbm>>
    tpu.wait_dma2 semaphore(%arg12 : memref<!tpu.dma_semaphore, #tpu.memory_space<semaphore_mem>>) src(%arg8 : memref<1600x32xf32, #tpu.memory_space<vmem>>) dst(%dma_wait3A_41 : memref<1600x32xf32, #tpu.memory_space<hbm>>)
    %dma_start3A_42 = arith.constant 0 : i32
    %dma_start3A_43 = arith.constant 0 : i32
    %dma_start3A_44 = tpu.memref_slice %arg2[%dma_start3A_42, %dma_start3A_43] : memref<2000x32xf32, #tpu.memory_space<hbm>> -> memref<2000x32xf32, #tpu.memory_space<hbm>>
    tpu.enqueue_indirect_dma source(%dma_start3A_44 : memref<2000x32xf32, #tpu.memory_space<hbm>>) target(%arg8 : memref<1600x32xf32, #tpu.memory_space<vmem>>) offsets(%arg6 : memref<1600xi32, #tpu.memory_space<vmem>>) semaphore(%arg10 : memref<!tpu.dma_semaphore, #tpu.memory_space<semaphore_mem>>)
    %dma_wait3A_45 = arith.constant 0 : i32
    %dma_wait3A_46 = arith.constant 0 : i32
    %dma_wait3A_47 = tpu.memref_slice %arg2[%dma_wait3A_45, %dma_wait3A_46] : memref<2000x32xf32, #tpu.memory_space<hbm>> -> memref<2000x32xf32, #tpu.memory_space<hbm>>
    tpu.wait_indirect_dma semaphore(%arg9 : memref<!tpu.dma_semaphore, #tpu.memory_space<semaphore_mem>>) src(%dma_wait3A_47 : memref<2000x32xf32, #tpu.memory_space<hbm>>) dst(%arg7 : memref<1600x32xf32, #tpu.memory_space<vmem>>)
    %add3A_48 = arith.constant 3200 : i32
    %add3A_49 = arith.addi %mul3A_2, %add3A_48 : i32
    %dma_start3A_50 = arith.constant 0 : i32
    %dma_start3A_51 = tpu.memref_slice %arg4[%add3A_49, %dma_start3A_50] : memref<256000x32xf32, #tpu.memory_space<hbm>> -> memref<1600x32xf32, #tpu.memory_space<hbm>>
    %dma_start3A_52 = arith.constant 0 : i32
    %dma_start3A_53 = tpu.memref_slice %arg4[%add3A_49, %dma_start3A_52] : memref<256000x32xf32, #tpu.memory_space<hbm>> -> memref<1600x32xf32, #tpu.memory_space<hbm>>
    tpu.enqueue_dma source(%arg7 : memref<1600x32xf32, #tpu.memory_space<vmem>>) target(%dma_start3A_53 : memref<1600x32xf32, #tpu.memory_space<hbm>>) target_semaphore(%arg11 : memref<!tpu.dma_semaphore, #tpu.memory_space<semaphore_mem>>)
    %add3A_54 = arith.constant 6400 : i32
    %add3A_55 = arith.addi %mul3A_2, %add3A_54 : i32
    "tpu.region"() ({
      %run_scoped3A = tpu.sem_alloc : memref<!tpu.dma_semaphore, #tpu.memory_space<semaphore_mem>>
      %dma_start3A_89 = tpu.memref_slice %arg3[%add3A_55] : memref<256000xi32, #tpu.memory_space<hbm>> -> memref<1600xi32, #tpu.memory_space<hbm>>
      %dma_start3A_90 = tpu.memref_slice %arg3[%add3A_55] : memref<256000xi32, #tpu.memory_space<hbm>> -> memref<1600xi32, #tpu.memory_space<hbm>>
      tpu.enqueue_dma source(%dma_start3A_90 : memref<1600xi32, #tpu.memory_space<hbm>>) target(%arg5 : memref<1600xi32, #tpu.memory_space<vmem>>) target_semaphore(%run_scoped3A : memref<!tpu.dma_semaphore, #tpu.memory_space<semaphore_mem>>)
      %dma_wait3A_91 = tpu.memref_slice %arg3[%add3A_55] : memref<256000xi32, #tpu.memory_space<hbm>> -> memref<1600xi32, #tpu.memory_space<hbm>>
      %dma_wait3A_92 = tpu.memref_slice %arg3[%add3A_55] : memref<256000xi32, #tpu.memory_space<hbm>> -> memref<1600xi32, #tpu.memory_space<hbm>>
      tpu.wait_dma2 semaphore(%run_scoped3A : memref<!tpu.dma_semaphore, #tpu.memory_space<semaphore_mem>>) src(%dma_wait3A_92 : memref<1600xi32, #tpu.memory_space<hbm>>) dst(%arg5 : memref<1600xi32, #tpu.memory_space<vmem>>)
      tpu.yield
    }) : () -> ()
    %dma_wait3A_56 = arith.constant 0 : i32
    %dma_wait3A_57 = tpu.memref_slice %arg4[%add3A_49, %dma_wait3A_56] : memref<256000x32xf32, #tpu.memory_space<hbm>> -> memref<1600x32xf32, #tpu.memory_space<hbm>>
    %dma_wait3A_58 = arith.constant 0 : i32
    %dma_wait3A_59 = tpu.memref_slice %arg4[%add3A_49, %dma_wait3A_58] : memref<256000x32xf32, #tpu.memory_space<hbm>> -> memref<1600x32xf32, #tpu.memory_space<hbm>>
    tpu.wait_dma2 semaphore(%arg11 : memref<!tpu.dma_semaphore, #tpu.memory_space<semaphore_mem>>) src(%arg7 : memref<1600x32xf32, #tpu.memory_space<vmem>>) dst(%dma_wait3A_59 : memref<1600x32xf32, #tpu.memory_space<hbm>>)
    %dma_start3A_60 = arith.constant 0 : i32
    %dma_start3A_61 = arith.constant 0 : i32
    %dma_start3A_62 = tpu.memref_slice %arg2[%dma_start3A_60, %dma_start3A_61] : memref<2000x32xf32, #tpu.memory_space<hbm>> -> memref<2000x32xf32, #tpu.memory_space<hbm>>
    tpu.enqueue_indirect_dma source(%dma_start3A_62 : memref<2000x32xf32, #tpu.memory_space<hbm>>) target(%arg7 : memref<1600x32xf32, #tpu.memory_space<vmem>>) offsets(%arg5 : memref<1600xi32, #tpu.memory_space<vmem>>) semaphore(%arg9 : memref<!tpu.dma_semaphore, #tpu.memory_space<semaphore_mem>>)
    %dma_wait3A_63 = arith.constant 0 : i32
    %dma_wait3A_64 = arith.constant 0 : i32
    %dma_wait3A_65 = tpu.memref_slice %arg2[%dma_wait3A_63, %dma_wait3A_64] : memref<2000x32xf32, #tpu.memory_space<hbm>> -> memref<2000x32xf32, #tpu.memory_space<hbm>>
    tpu.wait_indirect_dma semaphore(%arg10 : memref<!tpu.dma_semaphore, #tpu.memory_space<semaphore_mem>>) src(%dma_wait3A_65 : memref<2000x32xf32, #tpu.memory_space<hbm>>) dst(%arg8 : memref<1600x32xf32, #tpu.memory_space<vmem>>)
    %add3A_66 = arith.constant 4800 : i32
    %add3A_67 = arith.addi %mul3A_2, %add3A_66 : i32
    %dma_start3A_68 = arith.constant 0 : i32
    %dma_start3A_69 = tpu.memref_slice %arg4[%add3A_67, %dma_start3A_68] : memref<256000x32xf32, #tpu.memory_space<hbm>> -> memref<1600x32xf32, #tpu.memory_space<hbm>>
    %dma_start3A_70 = arith.constant 0 : i32
    %dma_start3A_71 = tpu.memref_slice %arg4[%add3A_67, %dma_start3A_70] : memref<256000x32xf32, #tpu.memory_space<hbm>> -> memref<1600x32xf32, #tpu.memory_space<hbm>>
    tpu.enqueue_dma source(%arg8 : memref<1600x32xf32, #tpu.memory_space<vmem>>) target(%dma_start3A_71 : memref<1600x32xf32, #tpu.memory_space<hbm>>) target_semaphore(%arg12 : memref<!tpu.dma_semaphore, #tpu.memory_space<semaphore_mem>>)
    %dma_wait3A_72 = arith.constant 0 : i32
    %dma_wait3A_73 = arith.constant 0 : i32
    %dma_wait3A_74 = tpu.memref_slice %arg2[%dma_wait3A_72, %dma_wait3A_73] : memref<2000x32xf32, #tpu.memory_space<hbm>> -> memref<2000x32xf32, #tpu.memory_space<hbm>>
    tpu.wait_indirect_dma semaphore(%arg9 : memref<!tpu.dma_semaphore, #tpu.memory_space<semaphore_mem>>) src(%dma_wait3A_74 : memref<2000x32xf32, #tpu.memory_space<hbm>>) dst(%arg7 : memref<1600x32xf32, #tpu.memory_space<vmem>>)
    %add3A_75 = arith.constant 6400 : i32
    %add3A_76 = arith.addi %mul3A_2, %add3A_75 : i32
    %dma_start3A_77 = arith.constant 0 : i32
    %dma_start3A_78 = tpu.memref_slice %arg4[%add3A_76, %dma_start3A_77] : memref<256000x32xf32, #tpu.memory_space<hbm>> -> memref<1600x32xf32, #tpu.memory_space<hbm>>
    %dma_start3A_79 = arith.constant 0 : i32
    %dma_start3A_80 = tpu.memref_slice %arg4[%add3A_76, %dma_start3A_79] : memref<256000x32xf32, #tpu.memory_space<hbm>> -> memref<1600x32xf32, #tpu.memory_space<hbm>>
    tpu.enqueue_dma source(%arg7 : memref<1600x32xf32, #tpu.memory_space<vmem>>) target(%dma_start3A_80 : memref<1600x32xf32, #tpu.memory_space<hbm>>) target_semaphore(%arg11 : memref<!tpu.dma_semaphore, #tpu.memory_space<semaphore_mem>>)
    %dma_wait3A_81 = arith.constant 0 : i32
    %dma_wait3A_82 = tpu.memref_slice %arg4[%add3A_67, %dma_wait3A_81] : memref<256000x32xf32, #tpu.memory_space<hbm>> -> memref<1600x32xf32, #tpu.memory_space<hbm>>
    %dma_wait3A_83 = arith.constant 0 : i32
    %dma_wait3A_84 = tpu.memref_slice %arg4[%add3A_67, %dma_wait3A_83] : memref<256000x32xf32, #tpu.memory_space<hbm>> -> memref<1600x32xf32, #tpu.memory_space<hbm>>
    tpu.wait_dma2 semaphore(%arg12 : memref<!tpu.dma_semaphore, #tpu.memory_space<semaphore_mem>>) src(%arg8 : memref<1600x32xf32, #tpu.memory_space<vmem>>) dst(%dma_wait3A_84 : memref<1600x32xf32, #tpu.memory_space<hbm>>)
    %dma_wait3A_85 = arith.constant 0 : i32
    %dma_wait3A_86 = tpu.memref_slice %arg4[%add3A_76, %dma_wait3A_85] : memref<256000x32xf32, #tpu.memory_space<hbm>> -> memref<1600x32xf32, #tpu.memory_space<hbm>>
    %dma_wait3A_87 = arith.constant 0 : i32
    %dma_wait3A_88 = tpu.memref_slice %arg4[%add3A_76, %dma_wait3A_87] : memref<256000x32xf32, #tpu.memory_space<hbm>> -> memref<1600x32xf32, #tpu.memory_space<hbm>>
    tpu.wait_dma2 semaphore(%arg11 : memref<!tpu.dma_semaphore, #tpu.memory_space<semaphore_mem>>) src(%arg7 : memref<1600x32xf32, #tpu.memory_space<vmem>>) dst(%dma_wait3A_88 : memref<1600x32xf32, #tpu.memory_space<hbm>>)
    return
  }
}

#map = affine_map<(d0, d1) -> (0, 0)>
#map1 = affine_map<(d0, d1) -> (0)>
module attributes {stable_mosaic.version = 14 : i64} {
  func.func @_gather_body(%arg0: i32, %arg1: i32, %arg2: memref<2000x32xf32, #tpu.memory_space<hbm>>, %arg3: memref<102400xi32, #tpu.memory_space<hbm>>, %arg4: memref<102400x32xf32, #tpu.memory_space<hbm>>, %arg5: memref<1600xi32, #tpu.memory_space<vmem>>, %arg6: memref<1600xi32, #tpu.memory_space<vmem>>, %arg7: memref<1600x32xf32, #tpu.memory_space<vmem>>, %arg8: memref<1600x32xf32, #tpu.memory_space<vmem>>, %arg9: memref<!tpu.dma_semaphore, #tpu.memory_space<semaphore_mem>>, %arg10: memref<!tpu.dma_semaphore, #tpu.memory_space<semaphore_mem>>, %arg11: memref<!tpu.dma_semaphore, #tpu.memory_space<semaphore_mem>>, %arg12: memref<!tpu.dma_semaphore, #tpu.memory_space<semaphore_mem>>) attributes {dimension_semantics = [#tpu.dimension_semantics<core_parallel>, #tpu.dimension_semantics<subcore_parallel>], iteration_bounds = array<i64: 2, 16>, scalar_prefetch = 0 : i64, scratch_operands = 8 : i64, tpu.core_type = #tpu.core_type<sc_vector_subcore>, window_params = [{transform_indices = #map}, {transform_indices = #map1}, {transform_indices = #map}]} {
    %mul3A = arith.constant 2 : i32
    %mul3A_0 = arith.muli %arg1, %mul3A : i32
    %add3A = arith.addi %mul3A_0, %arg0 : i32
    %mul3A_1 = arith.constant 3200 : i32
    %mul3A_2 = arith.muli %add3A, %mul3A_1 : i32
    "tpu.region"() ({
      %run_scoped3A = tpu.sem_alloc : memref<!tpu.dma_semaphore, #tpu.memory_space<semaphore_mem>>
      %dma_start3A_35 = tpu.memref_slice %arg3[%mul3A_2] : memref<102400xi32, #tpu.memory_space<hbm>> -> memref<1600xi32, #tpu.memory_space<hbm>>
      %dma_start3A_36 = tpu.memref_slice %arg3[%mul3A_2] : memref<102400xi32, #tpu.memory_space<hbm>> -> memref<1600xi32, #tpu.memory_space<hbm>>
      tpu.enqueue_dma source(%dma_start3A_36 : memref<1600xi32, #tpu.memory_space<hbm>>) target(%arg5 : memref<1600xi32, #tpu.memory_space<vmem>>) target_semaphore(%run_scoped3A : memref<!tpu.dma_semaphore, #tpu.memory_space<semaphore_mem>>)
      %dma_wait3A_37 = tpu.memref_slice %arg3[%mul3A_2] : memref<102400xi32, #tpu.memory_space<hbm>> -> memref<1600xi32, #tpu.memory_space<hbm>>
      %dma_wait3A_38 = tpu.memref_slice %arg3[%mul3A_2] : memref<102400xi32, #tpu.memory_space<hbm>> -> memref<1600xi32, #tpu.memory_space<hbm>>
      tpu.wait_dma2 semaphore(%run_scoped3A : memref<!tpu.dma_semaphore, #tpu.memory_space<semaphore_mem>>) src(%dma_wait3A_38 : memref<1600xi32, #tpu.memory_space<hbm>>) dst(%arg5 : memref<1600xi32, #tpu.memory_space<vmem>>)
      tpu.yield
    }) : () -> ()
    %dma_start3A = arith.constant 0 : i32
    %dma_start3A_3 = arith.constant 0 : i32
    %dma_start3A_4 = tpu.memref_slice %arg2[%dma_start3A, %dma_start3A_3] : memref<2000x32xf32, #tpu.memory_space<hbm>> -> memref<2000x32xf32, #tpu.memory_space<hbm>>
    tpu.enqueue_indirect_dma source(%dma_start3A_4 : memref<2000x32xf32, #tpu.memory_space<hbm>>) target(%arg7 : memref<1600x32xf32, #tpu.memory_space<vmem>>) offsets(%arg5 : memref<1600xi32, #tpu.memory_space<vmem>>) semaphore(%arg9 : memref<!tpu.dma_semaphore, #tpu.memory_space<semaphore_mem>>)
    %add3A_5 = arith.constant 1600 : i32
    %add3A_6 = arith.addi %mul3A_2, %add3A_5 : i32
    "tpu.region"() ({
      %run_scoped3A = tpu.sem_alloc : memref<!tpu.dma_semaphore, #tpu.memory_space<semaphore_mem>>
      %dma_start3A_35 = tpu.memref_slice %arg3[%add3A_6] : memref<102400xi32, #tpu.memory_space<hbm>> -> memref<1600xi32, #tpu.memory_space<hbm>>
      %dma_start3A_36 = tpu.memref_slice %arg3[%add3A_6] : memref<102400xi32, #tpu.memory_space<hbm>> -> memref<1600xi32, #tpu.memory_space<hbm>>
      tpu.enqueue_dma source(%dma_start3A_36 : memref<1600xi32, #tpu.memory_space<hbm>>) target(%arg6 : memref<1600xi32, #tpu.memory_space<vmem>>) target_semaphore(%run_scoped3A : memref<!tpu.dma_semaphore, #tpu.memory_space<semaphore_mem>>)
      %dma_wait3A_37 = tpu.memref_slice %arg3[%add3A_6] : memref<102400xi32, #tpu.memory_space<hbm>> -> memref<1600xi32, #tpu.memory_space<hbm>>
      %dma_wait3A_38 = tpu.memref_slice %arg3[%add3A_6] : memref<102400xi32, #tpu.memory_space<hbm>> -> memref<1600xi32, #tpu.memory_space<hbm>>
      tpu.wait_dma2 semaphore(%run_scoped3A : memref<!tpu.dma_semaphore, #tpu.memory_space<semaphore_mem>>) src(%dma_wait3A_38 : memref<1600xi32, #tpu.memory_space<hbm>>) dst(%arg6 : memref<1600xi32, #tpu.memory_space<vmem>>)
      tpu.yield
    }) : () -> ()
    %dma_start3A_7 = arith.constant 0 : i32
    %dma_start3A_8 = arith.constant 0 : i32
    %dma_start3A_9 = tpu.memref_slice %arg2[%dma_start3A_7, %dma_start3A_8] : memref<2000x32xf32, #tpu.memory_space<hbm>> -> memref<2000x32xf32, #tpu.memory_space<hbm>>
    tpu.enqueue_indirect_dma source(%dma_start3A_9 : memref<2000x32xf32, #tpu.memory_space<hbm>>) target(%arg8 : memref<1600x32xf32, #tpu.memory_space<vmem>>) offsets(%arg6 : memref<1600xi32, #tpu.memory_space<vmem>>) semaphore(%arg10 : memref<!tpu.dma_semaphore, #tpu.memory_space<semaphore_mem>>)
    %dma_wait3A = arith.constant 0 : i32
    %dma_wait3A_10 = arith.constant 0 : i32
    %dma_wait3A_11 = tpu.memref_slice %arg2[%dma_wait3A, %dma_wait3A_10] : memref<2000x32xf32, #tpu.memory_space<hbm>> -> memref<2000x32xf32, #tpu.memory_space<hbm>>
    tpu.wait_indirect_dma semaphore(%arg9 : memref<!tpu.dma_semaphore, #tpu.memory_space<semaphore_mem>>) src(%dma_wait3A_11 : memref<2000x32xf32, #tpu.memory_space<hbm>>) dst(%arg7 : memref<1600x32xf32, #tpu.memory_space<vmem>>)
    %add3A_12 = arith.constant 0 : i32
    %add3A_13 = arith.addi %mul3A_2, %add3A_12 : i32
    %dma_start3A_14 = arith.constant 0 : i32
    %dma_start3A_15 = tpu.memref_slice %arg4[%add3A_13, %dma_start3A_14] : memref<102400x32xf32, #tpu.memory_space<hbm>> -> memref<1600x32xf32, #tpu.memory_space<hbm>>
    %dma_start3A_16 = arith.constant 0 : i32
    %dma_start3A_17 = tpu.memref_slice %arg4[%add3A_13, %dma_start3A_16] : memref<102400x32xf32, #tpu.memory_space<hbm>> -> memref<1600x32xf32, #tpu.memory_space<hbm>>
    tpu.enqueue_dma source(%arg7 : memref<1600x32xf32, #tpu.memory_space<vmem>>) target(%dma_start3A_17 : memref<1600x32xf32, #tpu.memory_space<hbm>>) target_semaphore(%arg11 : memref<!tpu.dma_semaphore, #tpu.memory_space<semaphore_mem>>)
    %dma_wait3A_18 = arith.constant 0 : i32
    %dma_wait3A_19 = arith.constant 0 : i32
    %dma_wait3A_20 = tpu.memref_slice %arg2[%dma_wait3A_18, %dma_wait3A_19] : memref<2000x32xf32, #tpu.memory_space<hbm>> -> memref<2000x32xf32, #tpu.memory_space<hbm>>
    tpu.wait_indirect_dma semaphore(%arg10 : memref<!tpu.dma_semaphore, #tpu.memory_space<semaphore_mem>>) src(%dma_wait3A_20 : memref<2000x32xf32, #tpu.memory_space<hbm>>) dst(%arg8 : memref<1600x32xf32, #tpu.memory_space<vmem>>)
    %add3A_21 = arith.constant 1600 : i32
    %add3A_22 = arith.addi %mul3A_2, %add3A_21 : i32
    %dma_start3A_23 = arith.constant 0 : i32
    %dma_start3A_24 = tpu.memref_slice %arg4[%add3A_22, %dma_start3A_23] : memref<102400x32xf32, #tpu.memory_space<hbm>> -> memref<1600x32xf32, #tpu.memory_space<hbm>>
    %dma_start3A_25 = arith.constant 0 : i32
    %dma_start3A_26 = tpu.memref_slice %arg4[%add3A_22, %dma_start3A_25] : memref<102400x32xf32, #tpu.memory_space<hbm>> -> memref<1600x32xf32, #tpu.memory_space<hbm>>
    tpu.enqueue_dma source(%arg8 : memref<1600x32xf32, #tpu.memory_space<vmem>>) target(%dma_start3A_26 : memref<1600x32xf32, #tpu.memory_space<hbm>>) target_semaphore(%arg12 : memref<!tpu.dma_semaphore, #tpu.memory_space<semaphore_mem>>)
    %dma_wait3A_27 = arith.constant 0 : i32
    %dma_wait3A_28 = tpu.memref_slice %arg4[%add3A_13, %dma_wait3A_27] : memref<102400x32xf32, #tpu.memory_space<hbm>> -> memref<1600x32xf32, #tpu.memory_space<hbm>>
    %dma_wait3A_29 = arith.constant 0 : i32
    %dma_wait3A_30 = tpu.memref_slice %arg4[%add3A_13, %dma_wait3A_29] : memref<102400x32xf32, #tpu.memory_space<hbm>> -> memref<1600x32xf32, #tpu.memory_space<hbm>>
    tpu.wait_dma2 semaphore(%arg11 : memref<!tpu.dma_semaphore, #tpu.memory_space<semaphore_mem>>) src(%arg7 : memref<1600x32xf32, #tpu.memory_space<vmem>>) dst(%dma_wait3A_30 : memref<1600x32xf32, #tpu.memory_space<hbm>>)
    %dma_wait3A_31 = arith.constant 0 : i32
    %dma_wait3A_32 = tpu.memref_slice %arg4[%add3A_22, %dma_wait3A_31] : memref<102400x32xf32, #tpu.memory_space<hbm>> -> memref<1600x32xf32, #tpu.memory_space<hbm>>
    %dma_wait3A_33 = arith.constant 0 : i32
    %dma_wait3A_34 = tpu.memref_slice %arg4[%add3A_22, %dma_wait3A_33] : memref<102400x32xf32, #tpu.memory_space<hbm>> -> memref<1600x32xf32, #tpu.memory_space<hbm>>
    tpu.wait_dma2 semaphore(%arg12 : memref<!tpu.dma_semaphore, #tpu.memory_space<semaphore_mem>>) src(%arg8 : memref<1600x32xf32, #tpu.memory_space<vmem>>) dst(%dma_wait3A_34 : memref<1600x32xf32, #tpu.memory_space<hbm>>)
    return
  }
}

#map = affine_map<(d0, d1) -> (0, 0)>
#map1 = affine_map<(d0, d1) -> (0)>
module attributes {stable_mosaic.version = 14 : i64} {
  func.func @_gather_body(%arg0: i32, %arg1: i32, %arg2: memref<2000x32xf32, #tpu.memory_space<hbm>>, %arg3: memref<204800xi32, #tpu.memory_space<hbm>>, %arg4: memref<204800x32xf32, #tpu.memory_space<hbm>>, %arg5: memref<1600xi32, #tpu.memory_space<vmem>>, %arg6: memref<1600xi32, #tpu.memory_space<vmem>>, %arg7: memref<1600x32xf32, #tpu.memory_space<vmem>>, %arg8: memref<1600x32xf32, #tpu.memory_space<vmem>>, %arg9: memref<!tpu.dma_semaphore, #tpu.memory_space<semaphore_mem>>, %arg10: memref<!tpu.dma_semaphore, #tpu.memory_space<semaphore_mem>>, %arg11: memref<!tpu.dma_semaphore, #tpu.memory_space<semaphore_mem>>, %arg12: memref<!tpu.dma_semaphore, #tpu.memory_space<semaphore_mem>>) attributes {dimension_semantics = [#tpu.dimension_semantics<core_parallel>, #tpu.dimension_semantics<subcore_parallel>], iteration_bounds = array<i64: 2, 16>, scalar_prefetch = 0 : i64, scratch_operands = 8 : i64, tpu.core_type = #tpu.core_type<sc_vector_subcore>, window_params = [{transform_indices = #map}, {transform_indices = #map1}, {transform_indices = #map}]} {
    %mul3A = arith.constant 2 : i32
    %mul3A_0 = arith.muli %arg1, %mul3A : i32
    %add3A = arith.addi %mul3A_0, %arg0 : i32
    %mul3A_1 = arith.constant 6400 : i32
    %mul3A_2 = arith.muli %add3A, %mul3A_1 : i32
    "tpu.region"() ({
      %run_scoped3A = tpu.sem_alloc : memref<!tpu.dma_semaphore, #tpu.memory_space<semaphore_mem>>
      %dma_start3A_71 = tpu.memref_slice %arg3[%mul3A_2] : memref<204800xi32, #tpu.memory_space<hbm>> -> memref<1600xi32, #tpu.memory_space<hbm>>
      %dma_start3A_72 = tpu.memref_slice %arg3[%mul3A_2] : memref<204800xi32, #tpu.memory_space<hbm>> -> memref<1600xi32, #tpu.memory_space<hbm>>
      tpu.enqueue_dma source(%dma_start3A_72 : memref<1600xi32, #tpu.memory_space<hbm>>) target(%arg5 : memref<1600xi32, #tpu.memory_space<vmem>>) target_semaphore(%run_scoped3A : memref<!tpu.dma_semaphore, #tpu.memory_space<semaphore_mem>>)
      %dma_wait3A_73 = tpu.memref_slice %arg3[%mul3A_2] : memref<204800xi32, #tpu.memory_space<hbm>> -> memref<1600xi32, #tpu.memory_space<hbm>>
      %dma_wait3A_74 = tpu.memref_slice %arg3[%mul3A_2] : memref<204800xi32, #tpu.memory_space<hbm>> -> memref<1600xi32, #tpu.memory_space<hbm>>
      tpu.wait_dma2 semaphore(%run_scoped3A : memref<!tpu.dma_semaphore, #tpu.memory_space<semaphore_mem>>) src(%dma_wait3A_74 : memref<1600xi32, #tpu.memory_space<hbm>>) dst(%arg5 : memref<1600xi32, #tpu.memory_space<vmem>>)
      tpu.yield
    }) : () -> ()
    %dma_start3A = arith.constant 0 : i32
    %dma_start3A_3 = arith.constant 0 : i32
    %dma_start3A_4 = tpu.memref_slice %arg2[%dma_start3A, %dma_start3A_3] : memref<2000x32xf32, #tpu.memory_space<hbm>> -> memref<2000x32xf32, #tpu.memory_space<hbm>>
    tpu.enqueue_indirect_dma source(%dma_start3A_4 : memref<2000x32xf32, #tpu.memory_space<hbm>>) target(%arg7 : memref<1600x32xf32, #tpu.memory_space<vmem>>) offsets(%arg5 : memref<1600xi32, #tpu.memory_space<vmem>>) semaphore(%arg9 : memref<!tpu.dma_semaphore, #tpu.memory_space<semaphore_mem>>)
    %add3A_5 = arith.constant 1600 : i32
    %add3A_6 = arith.addi %mul3A_2, %add3A_5 : i32
    "tpu.region"() ({
      %run_scoped3A = tpu.sem_alloc : memref<!tpu.dma_semaphore, #tpu.memory_space<semaphore_mem>>
      %dma_start3A_71 = tpu.memref_slice %arg3[%add3A_6] : memref<204800xi32, #tpu.memory_space<hbm>> -> memref<1600xi32, #tpu.memory_space<hbm>>
      %dma_start3A_72 = tpu.memref_slice %arg3[%add3A_6] : memref<204800xi32, #tpu.memory_space<hbm>> -> memref<1600xi32, #tpu.memory_space<hbm>>
      tpu.enqueue_dma source(%dma_start3A_72 : memref<1600xi32, #tpu.memory_space<hbm>>) target(%arg6 : memref<1600xi32, #tpu.memory_space<vmem>>) target_semaphore(%run_scoped3A : memref<!tpu.dma_semaphore, #tpu.memory_space<semaphore_mem>>)
      %dma_wait3A_73 = tpu.memref_slice %arg3[%add3A_6] : memref<204800xi32, #tpu.memory_space<hbm>> -> memref<1600xi32, #tpu.memory_space<hbm>>
      %dma_wait3A_74 = tpu.memref_slice %arg3[%add3A_6] : memref<204800xi32, #tpu.memory_space<hbm>> -> memref<1600xi32, #tpu.memory_space<hbm>>
      tpu.wait_dma2 semaphore(%run_scoped3A : memref<!tpu.dma_semaphore, #tpu.memory_space<semaphore_mem>>) src(%dma_wait3A_74 : memref<1600xi32, #tpu.memory_space<hbm>>) dst(%arg6 : memref<1600xi32, #tpu.memory_space<vmem>>)
      tpu.yield
    }) : () -> ()
    %dma_start3A_7 = arith.constant 0 : i32
    %dma_start3A_8 = arith.constant 0 : i32
    %dma_start3A_9 = tpu.memref_slice %arg2[%dma_start3A_7, %dma_start3A_8] : memref<2000x32xf32, #tpu.memory_space<hbm>> -> memref<2000x32xf32, #tpu.memory_space<hbm>>
    tpu.enqueue_indirect_dma source(%dma_start3A_9 : memref<2000x32xf32, #tpu.memory_space<hbm>>) target(%arg8 : memref<1600x32xf32, #tpu.memory_space<vmem>>) offsets(%arg6 : memref<1600xi32, #tpu.memory_space<vmem>>) semaphore(%arg10 : memref<!tpu.dma_semaphore, #tpu.memory_space<semaphore_mem>>)
    %dma_wait3A = arith.constant 0 : i32
    %dma_wait3A_10 = arith.constant 0 : i32
    %dma_wait3A_11 = tpu.memref_slice %arg2[%dma_wait3A, %dma_wait3A_10] : memref<2000x32xf32, #tpu.memory_space<hbm>> -> memref<2000x32xf32, #tpu.memory_space<hbm>>
    tpu.wait_indirect_dma semaphore(%arg9 : memref<!tpu.dma_semaphore, #tpu.memory_space<semaphore_mem>>) src(%dma_wait3A_11 : memref<2000x32xf32, #tpu.memory_space<hbm>>) dst(%arg7 : memref<1600x32xf32, #tpu.memory_space<vmem>>)
    %add3A_12 = arith.constant 0 : i32
    %add3A_13 = arith.addi %mul3A_2, %add3A_12 : i32
    %dma_start3A_14 = arith.constant 0 : i32
    %dma_start3A_15 = tpu.memref_slice %arg4[%add3A_13, %dma_start3A_14] : memref<204800x32xf32, #tpu.memory_space<hbm>> -> memref<1600x32xf32, #tpu.memory_space<hbm>>
    %dma_start3A_16 = arith.constant 0 : i32
    %dma_start3A_17 = tpu.memref_slice %arg4[%add3A_13, %dma_start3A_16] : memref<204800x32xf32, #tpu.memory_space<hbm>> -> memref<1600x32xf32, #tpu.memory_space<hbm>>
    tpu.enqueue_dma source(%arg7 : memref<1600x32xf32, #tpu.memory_space<vmem>>) target(%dma_start3A_17 : memref<1600x32xf32, #tpu.memory_space<hbm>>) target_semaphore(%arg11 : memref<!tpu.dma_semaphore, #tpu.memory_space<semaphore_mem>>)
    %add3A_18 = arith.constant 3200 : i32
    %add3A_19 = arith.addi %mul3A_2, %add3A_18 : i32
    "tpu.region"() ({
      %run_scoped3A = tpu.sem_alloc : memref<!tpu.dma_semaphore, #tpu.memory_space<semaphore_mem>>
      %dma_start3A_71 = tpu.memref_slice %arg3[%add3A_19] : memref<204800xi32, #tpu.memory_space<hbm>> -> memref<1600xi32, #tpu.memory_space<hbm>>
      %dma_start3A_72 = tpu.memref_slice %arg3[%add3A_19] : memref<204800xi32, #tpu.memory_space<hbm>> -> memref<1600xi32, #tpu.memory_space<hbm>>
      tpu.enqueue_dma source(%dma_start3A_72 : memref<1600xi32, #tpu.memory_space<hbm>>) target(%arg5 : memref<1600xi32, #tpu.memory_space<vmem>>) target_semaphore(%run_scoped3A : memref<!tpu.dma_semaphore, #tpu.memory_space<semaphore_mem>>)
      %dma_wait3A_73 = tpu.memref_slice %arg3[%add3A_19] : memref<204800xi32, #tpu.memory_space<hbm>> -> memref<1600xi32, #tpu.memory_space<hbm>>
      %dma_wait3A_74 = tpu.memref_slice %arg3[%add3A_19] : memref<204800xi32, #tpu.memory_space<hbm>> -> memref<1600xi32, #tpu.memory_space<hbm>>
      tpu.wait_dma2 semaphore(%run_scoped3A : memref<!tpu.dma_semaphore, #tpu.memory_space<semaphore_mem>>) src(%dma_wait3A_74 : memref<1600xi32, #tpu.memory_space<hbm>>) dst(%arg5 : memref<1600xi32, #tpu.memory_space<vmem>>)
      tpu.yield
    }) : () -> ()
    %dma_wait3A_20 = arith.constant 0 : i32
    %dma_wait3A_21 = tpu.memref_slice %arg4[%add3A_13, %dma_wait3A_20] : memref<204800x32xf32, #tpu.memory_space<hbm>> -> memref<1600x32xf32, #tpu.memory_space<hbm>>
    %dma_wait3A_22 = arith.constant 0 : i32
    %dma_wait3A_23 = tpu.memref_slice %arg4[%add3A_13, %dma_wait3A_22] : memref<204800x32xf32, #tpu.memory_space<hbm>> -> memref<1600x32xf32, #tpu.memory_space<hbm>>
    tpu.wait_dma2 semaphore(%arg11 : memref<!tpu.dma_semaphore, #tpu.memory_space<semaphore_mem>>) src(%arg7 : memref<1600x32xf32, #tpu.memory_space<vmem>>) dst(%dma_wait3A_23 : memref<1600x32xf32, #tpu.memory_space<hbm>>)
    %dma_start3A_24 = arith.constant 0 : i32
    %dma_start3A_25 = arith.constant 0 : i32
    %dma_start3A_26 = tpu.memref_slice %arg2[%dma_start3A_24, %dma_start3A_25] : memref<2000x32xf32, #tpu.memory_space<hbm>> -> memref<2000x32xf32, #tpu.memory_space<hbm>>
    tpu.enqueue_indirect_dma source(%dma_start3A_26 : memref<2000x32xf32, #tpu.memory_space<hbm>>) target(%arg7 : memref<1600x32xf32, #tpu.memory_space<vmem>>) offsets(%arg5 : memref<1600xi32, #tpu.memory_space<vmem>>) semaphore(%arg9 : memref<!tpu.dma_semaphore, #tpu.memory_space<semaphore_mem>>)
    %dma_wait3A_27 = arith.constant 0 : i32
    %dma_wait3A_28 = arith.constant 0 : i32
    %dma_wait3A_29 = tpu.memref_slice %arg2[%dma_wait3A_27, %dma_wait3A_28] : memref<2000x32xf32, #tpu.memory_space<hbm>> -> memref<2000x32xf32, #tpu.memory_space<hbm>>
    tpu.wait_indirect_dma semaphore(%arg10 : memref<!tpu.dma_semaphore, #tpu.memory_space<semaphore_mem>>) src(%dma_wait3A_29 : memref<2000x32xf32, #tpu.memory_space<hbm>>) dst(%arg8 : memref<1600x32xf32, #tpu.memory_space<vmem>>)
    %add3A_30 = arith.constant 1600 : i32
    %add3A_31 = arith.addi %mul3A_2, %add3A_30 : i32
    %dma_start3A_32 = arith.constant 0 : i32
    %dma_start3A_33 = tpu.memref_slice %arg4[%add3A_31, %dma_start3A_32] : memref<204800x32xf32, #tpu.memory_space<hbm>> -> memref<1600x32xf32, #tpu.memory_space<hbm>>
    %dma_start3A_34 = arith.constant 0 : i32
    %dma_start3A_35 = tpu.memref_slice %arg4[%add3A_31, %dma_start3A_34] : memref<204800x32xf32, #tpu.memory_space<hbm>> -> memref<1600x32xf32, #tpu.memory_space<hbm>>
    tpu.enqueue_dma source(%arg8 : memref<1600x32xf32, #tpu.memory_space<vmem>>) target(%dma_start3A_35 : memref<1600x32xf32, #tpu.memory_space<hbm>>) target_semaphore(%arg12 : memref<!tpu.dma_semaphore, #tpu.memory_space<semaphore_mem>>)
    %add3A_36 = arith.constant 4800 : i32
    %add3A_37 = arith.addi %mul3A_2, %add3A_36 : i32
    "tpu.region"() ({
      %run_scoped3A = tpu.sem_alloc : memref<!tpu.dma_semaphore, #tpu.memory_space<semaphore_mem>>
      %dma_start3A_71 = tpu.memref_slice %arg3[%add3A_37] : memref<204800xi32, #tpu.memory_space<hbm>> -> memref<1600xi32, #tpu.memory_space<hbm>>
      %dma_start3A_72 = tpu.memref_slice %arg3[%add3A_37] : memref<204800xi32, #tpu.memory_space<hbm>> -> memref<1600xi32, #tpu.memory_space<hbm>>
      tpu.enqueue_dma source(%dma_start3A_72 : memref<1600xi32, #tpu.memory_space<hbm>>) target(%arg6 : memref<1600xi32, #tpu.memory_space<vmem>>) target_semaphore(%run_scoped3A : memref<!tpu.dma_semaphore, #tpu.memory_space<semaphore_mem>>)
      %dma_wait3A_73 = tpu.memref_slice %arg3[%add3A_37] : memref<204800xi32, #tpu.memory_space<hbm>> -> memref<1600xi32, #tpu.memory_space<hbm>>
      %dma_wait3A_74 = tpu.memref_slice %arg3[%add3A_37] : memref<204800xi32, #tpu.memory_space<hbm>> -> memref<1600xi32, #tpu.memory_space<hbm>>
      tpu.wait_dma2 semaphore(%run_scoped3A : memref<!tpu.dma_semaphore, #tpu.memory_space<semaphore_mem>>) src(%dma_wait3A_74 : memref<1600xi32, #tpu.memory_space<hbm>>) dst(%arg6 : memref<1600xi32, #tpu.memory_space<vmem>>)
      tpu.yield
    }) : () -> ()
    %dma_wait3A_38 = arith.constant 0 : i32
    %dma_wait3A_39 = tpu.memref_slice %arg4[%add3A_31, %dma_wait3A_38] : memref<204800x32xf32, #tpu.memory_space<hbm>> -> memref<1600x32xf32, #tpu.memory_space<hbm>>
    %dma_wait3A_40 = arith.constant 0 : i32
    %dma_wait3A_41 = tpu.memref_slice %arg4[%add3A_31, %dma_wait3A_40] : memref<204800x32xf32, #tpu.memory_space<hbm>> -> memref<1600x32xf32, #tpu.memory_space<hbm>>
    tpu.wait_dma2 semaphore(%arg12 : memref<!tpu.dma_semaphore, #tpu.memory_space<semaphore_mem>>) src(%arg8 : memref<1600x32xf32, #tpu.memory_space<vmem>>) dst(%dma_wait3A_41 : memref<1600x32xf32, #tpu.memory_space<hbm>>)
    %dma_start3A_42 = arith.constant 0 : i32
    %dma_start3A_43 = arith.constant 0 : i32
    %dma_start3A_44 = tpu.memref_slice %arg2[%dma_start3A_42, %dma_start3A_43] : memref<2000x32xf32, #tpu.memory_space<hbm>> -> memref<2000x32xf32, #tpu.memory_space<hbm>>
    tpu.enqueue_indirect_dma source(%dma_start3A_44 : memref<2000x32xf32, #tpu.memory_space<hbm>>) target(%arg8 : memref<1600x32xf32, #tpu.memory_space<vmem>>) offsets(%arg6 : memref<1600xi32, #tpu.memory_space<vmem>>) semaphore(%arg10 : memref<!tpu.dma_semaphore, #tpu.memory_space<semaphore_mem>>)
    %dma_wait3A_45 = arith.constant 0 : i32
    %dma_wait3A_46 = arith.constant 0 : i32
    %dma_wait3A_47 = tpu.memref_slice %arg2[%dma_wait3A_45, %dma_wait3A_46] : memref<2000x32xf32, #tpu.memory_space<hbm>> -> memref<2000x32xf32, #tpu.memory_space<hbm>>
    tpu.wait_indirect_dma semaphore(%arg9 : memref<!tpu.dma_semaphore, #tpu.memory_space<semaphore_mem>>) src(%dma_wait3A_47 : memref<2000x32xf32, #tpu.memory_space<hbm>>) dst(%arg7 : memref<1600x32xf32, #tpu.memory_space<vmem>>)
    %add3A_48 = arith.constant 3200 : i32
    %add3A_49 = arith.addi %mul3A_2, %add3A_48 : i32
    %dma_start3A_50 = arith.constant 0 : i32
    %dma_start3A_51 = tpu.memref_slice %arg4[%add3A_49, %dma_start3A_50] : memref<204800x32xf32, #tpu.memory_space<hbm>> -> memref<1600x32xf32, #tpu.memory_space<hbm>>
    %dma_start3A_52 = arith.constant 0 : i32
    %dma_start3A_53 = tpu.memref_slice %arg4[%add3A_49, %dma_start3A_52] : memref<204800x32xf32, #tpu.memory_space<hbm>> -> memref<1600x32xf32, #tpu.memory_space<hbm>>
    tpu.enqueue_dma source(%arg7 : memref<1600x32xf32, #tpu.memory_space<vmem>>) target(%dma_start3A_53 : memref<1600x32xf32, #tpu.memory_space<hbm>>) target_semaphore(%arg11 : memref<!tpu.dma_semaphore, #tpu.memory_space<semaphore_mem>>)
    %dma_wait3A_54 = arith.constant 0 : i32
    %dma_wait3A_55 = arith.constant 0 : i32
    %dma_wait3A_56 = tpu.memref_slice %arg2[%dma_wait3A_54, %dma_wait3A_55] : memref<2000x32xf32, #tpu.memory_space<hbm>> -> memref<2000x32xf32, #tpu.memory_space<hbm>>
    tpu.wait_indirect_dma semaphore(%arg10 : memref<!tpu.dma_semaphore, #tpu.memory_space<semaphore_mem>>) src(%dma_wait3A_56 : memref<2000x32xf32, #tpu.memory_space<hbm>>) dst(%arg8 : memref<1600x32xf32, #tpu.memory_space<vmem>>)
    %add3A_57 = arith.constant 4800 : i32
    %add3A_58 = arith.addi %mul3A_2, %add3A_57 : i32
    %dma_start3A_59 = arith.constant 0 : i32
    %dma_start3A_60 = tpu.memref_slice %arg4[%add3A_58, %dma_start3A_59] : memref<204800x32xf32, #tpu.memory_space<hbm>> -> memref<1600x32xf32, #tpu.memory_space<hbm>>
    %dma_start3A_61 = arith.constant 0 : i32
    %dma_start3A_62 = tpu.memref_slice %arg4[%add3A_58, %dma_start3A_61] : memref<204800x32xf32, #tpu.memory_space<hbm>> -> memref<1600x32xf32, #tpu.memory_space<hbm>>
    tpu.enqueue_dma source(%arg8 : memref<1600x32xf32, #tpu.memory_space<vmem>>) target(%dma_start3A_62 : memref<1600x32xf32, #tpu.memory_space<hbm>>) target_semaphore(%arg12 : memref<!tpu.dma_semaphore, #tpu.memory_space<semaphore_mem>>)
    %dma_wait3A_63 = arith.constant 0 : i32
    %dma_wait3A_64 = tpu.memref_slice %arg4[%add3A_49, %dma_wait3A_63] : memref<204800x32xf32, #tpu.memory_space<hbm>> -> memref<1600x32xf32, #tpu.memory_space<hbm>>
    %dma_wait3A_65 = arith.constant 0 : i32
    %dma_wait3A_66 = tpu.memref_slice %arg4[%add3A_49, %dma_wait3A_65] : memref<204800x32xf32, #tpu.memory_space<hbm>> -> memref<1600x32xf32, #tpu.memory_space<hbm>>
    tpu.wait_dma2 semaphore(%arg11 : memref<!tpu.dma_semaphore, #tpu.memory_space<semaphore_mem>>) src(%arg7 : memref<1600x32xf32, #tpu.memory_space<vmem>>) dst(%dma_wait3A_66 : memref<1600x32xf32, #tpu.memory_space<hbm>>)
    %dma_wait3A_67 = arith.constant 0 : i32
    %dma_wait3A_68 = tpu.memref_slice %arg4[%add3A_58, %dma_wait3A_67] : memref<204800x32xf32, #tpu.memory_space<hbm>> -> memref<1600x32xf32, #tpu.memory_space<hbm>>
    %dma_wait3A_69 = arith.constant 0 : i32
    %dma_wait3A_70 = tpu.memref_slice %arg4[%add3A_58, %dma_wait3A_69] : memref<204800x32xf32, #tpu.memory_space<hbm>> -> memref<1600x32xf32, #tpu.memory_space<hbm>>
    tpu.wait_dma2 semaphore(%arg12 : memref<!tpu.dma_semaphore, #tpu.memory_space<semaphore_mem>>) src(%arg8 : memref<1600x32xf32, #tpu.memory_space<vmem>>) dst(%dma_wait3A_70 : memref<1600x32xf32, #tpu.memory_space<hbm>>)
    return
  }
}

#map = affine_map<(d0, d1) -> (0, 0)>
#map1 = affine_map<(d0, d1) -> (0)>
module attributes {stable_mosaic.version = 14 : i64} {
  func.func @_gather_body(%arg0: i32, %arg1: i32, %arg2: memref<2000x32xf32, #tpu.memory_space<hbm>>, %arg3: memref<256000xi32, #tpu.memory_space<hbm>>, %arg4: memref<256000x32xf32, #tpu.memory_space<hbm>>, %arg5: memref<1600xi32, #tpu.memory_space<vmem>>, %arg6: memref<1600xi32, #tpu.memory_space<vmem>>, %arg7: memref<1600x32xf32, #tpu.memory_space<vmem>>, %arg8: memref<1600x32xf32, #tpu.memory_space<vmem>>, %arg9: memref<!tpu.dma_semaphore, #tpu.memory_space<semaphore_mem>>, %arg10: memref<!tpu.dma_semaphore, #tpu.memory_space<semaphore_mem>>, %arg11: memref<!tpu.dma_semaphore, #tpu.memory_space<semaphore_mem>>, %arg12: memref<!tpu.dma_semaphore, #tpu.memory_space<semaphore_mem>>) attributes {dimension_semantics = [#tpu.dimension_semantics<core_parallel>, #tpu.dimension_semantics<subcore_parallel>], iteration_bounds = array<i64: 2, 16>, scalar_prefetch = 0 : i64, scratch_operands = 8 : i64, tpu.core_type = #tpu.core_type<sc_vector_subcore>, window_params = [{transform_indices = #map}, {transform_indices = #map1}, {transform_indices = #map}]} {
    %mul3A = arith.constant 2 : i32
    %mul3A_0 = arith.muli %arg1, %mul3A : i32
    %add3A = arith.addi %mul3A_0, %arg0 : i32
    %mul3A_1 = arith.constant 8000 : i32
    %mul3A_2 = arith.muli %add3A, %mul3A_1 : i32
    "tpu.region"() ({
      %run_scoped3A = tpu.sem_alloc : memref<!tpu.dma_semaphore, #tpu.memory_space<semaphore_mem>>
      %dma_start3A_89 = tpu.memref_slice %arg3[%mul3A_2] : memref<256000xi32, #tpu.memory_space<hbm>> -> memref<1600xi32, #tpu.memory_space<hbm>>
      %dma_start3A_90 = tpu.memref_slice %arg3[%mul3A_2] : memref<256000xi32, #tpu.memory_space<hbm>> -> memref<1600xi32, #tpu.memory_space<hbm>>
      tpu.enqueue_dma source(%dma_start3A_90 : memref<1600xi32, #tpu.memory_space<hbm>>) target(%arg5 : memref<1600xi32, #tpu.memory_space<vmem>>) target_semaphore(%run_scoped3A : memref<!tpu.dma_semaphore, #tpu.memory_space<semaphore_mem>>)
      %dma_wait3A_91 = tpu.memref_slice %arg3[%mul3A_2] : memref<256000xi32, #tpu.memory_space<hbm>> -> memref<1600xi32, #tpu.memory_space<hbm>>
      %dma_wait3A_92 = tpu.memref_slice %arg3[%mul3A_2] : memref<256000xi32, #tpu.memory_space<hbm>> -> memref<1600xi32, #tpu.memory_space<hbm>>
      tpu.wait_dma2 semaphore(%run_scoped3A : memref<!tpu.dma_semaphore, #tpu.memory_space<semaphore_mem>>) src(%dma_wait3A_92 : memref<1600xi32, #tpu.memory_space<hbm>>) dst(%arg5 : memref<1600xi32, #tpu.memory_space<vmem>>)
      tpu.yield
    }) : () -> ()
    %dma_start3A = arith.constant 0 : i32
    %dma_start3A_3 = arith.constant 0 : i32
    %dma_start3A_4 = tpu.memref_slice %arg2[%dma_start3A, %dma_start3A_3] : memref<2000x32xf32, #tpu.memory_space<hbm>> -> memref<2000x32xf32, #tpu.memory_space<hbm>>
    tpu.enqueue_indirect_dma source(%dma_start3A_4 : memref<2000x32xf32, #tpu.memory_space<hbm>>) target(%arg7 : memref<1600x32xf32, #tpu.memory_space<vmem>>) offsets(%arg5 : memref<1600xi32, #tpu.memory_space<vmem>>) semaphore(%arg9 : memref<!tpu.dma_semaphore, #tpu.memory_space<semaphore_mem>>)
    %add3A_5 = arith.constant 1600 : i32
    %add3A_6 = arith.addi %mul3A_2, %add3A_5 : i32
    "tpu.region"() ({
      %run_scoped3A = tpu.sem_alloc : memref<!tpu.dma_semaphore, #tpu.memory_space<semaphore_mem>>
      %dma_start3A_89 = tpu.memref_slice %arg3[%add3A_6] : memref<256000xi32, #tpu.memory_space<hbm>> -> memref<1600xi32, #tpu.memory_space<hbm>>
      %dma_start3A_90 = tpu.memref_slice %arg3[%add3A_6] : memref<256000xi32, #tpu.memory_space<hbm>> -> memref<1600xi32, #tpu.memory_space<hbm>>
      tpu.enqueue_dma source(%dma_start3A_90 : memref<1600xi32, #tpu.memory_space<hbm>>) target(%arg6 : memref<1600xi32, #tpu.memory_space<vmem>>) target_semaphore(%run_scoped3A : memref<!tpu.dma_semaphore, #tpu.memory_space<semaphore_mem>>)
      %dma_wait3A_91 = tpu.memref_slice %arg3[%add3A_6] : memref<256000xi32, #tpu.memory_space<hbm>> -> memref<1600xi32, #tpu.memory_space<hbm>>
      %dma_wait3A_92 = tpu.memref_slice %arg3[%add3A_6] : memref<256000xi32, #tpu.memory_space<hbm>> -> memref<1600xi32, #tpu.memory_space<hbm>>
      tpu.wait_dma2 semaphore(%run_scoped3A : memref<!tpu.dma_semaphore, #tpu.memory_space<semaphore_mem>>) src(%dma_wait3A_92 : memref<1600xi32, #tpu.memory_space<hbm>>) dst(%arg6 : memref<1600xi32, #tpu.memory_space<vmem>>)
      tpu.yield
    }) : () -> ()
    %dma_start3A_7 = arith.constant 0 : i32
    %dma_start3A_8 = arith.constant 0 : i32
    %dma_start3A_9 = tpu.memref_slice %arg2[%dma_start3A_7, %dma_start3A_8] : memref<2000x32xf32, #tpu.memory_space<hbm>> -> memref<2000x32xf32, #tpu.memory_space<hbm>>
    tpu.enqueue_indirect_dma source(%dma_start3A_9 : memref<2000x32xf32, #tpu.memory_space<hbm>>) target(%arg8 : memref<1600x32xf32, #tpu.memory_space<vmem>>) offsets(%arg6 : memref<1600xi32, #tpu.memory_space<vmem>>) semaphore(%arg10 : memref<!tpu.dma_semaphore, #tpu.memory_space<semaphore_mem>>)
    %dma_wait3A = arith.constant 0 : i32
    %dma_wait3A_10 = arith.constant 0 : i32
    %dma_wait3A_11 = tpu.memref_slice %arg2[%dma_wait3A, %dma_wait3A_10] : memref<2000x32xf32, #tpu.memory_space<hbm>> -> memref<2000x32xf32, #tpu.memory_space<hbm>>
    tpu.wait_indirect_dma semaphore(%arg9 : memref<!tpu.dma_semaphore, #tpu.memory_space<semaphore_mem>>) src(%dma_wait3A_11 : memref<2000x32xf32, #tpu.memory_space<hbm>>) dst(%arg7 : memref<1600x32xf32, #tpu.memory_space<vmem>>)
    %add3A_12 = arith.constant 0 : i32
    %add3A_13 = arith.addi %mul3A_2, %add3A_12 : i32
    %dma_start3A_14 = arith.constant 0 : i32
    %dma_start3A_15 = tpu.memref_slice %arg4[%add3A_13, %dma_start3A_14] : memref<256000x32xf32, #tpu.memory_space<hbm>> -> memref<1600x32xf32, #tpu.memory_space<hbm>>
    %dma_start3A_16 = arith.constant 0 : i32
    %dma_start3A_17 = tpu.memref_slice %arg4[%add3A_13, %dma_start3A_16] : memref<256000x32xf32, #tpu.memory_space<hbm>> -> memref<1600x32xf32, #tpu.memory_space<hbm>>
    tpu.enqueue_dma source(%arg7 : memref<1600x32xf32, #tpu.memory_space<vmem>>) target(%dma_start3A_17 : memref<1600x32xf32, #tpu.memory_space<hbm>>) target_semaphore(%arg11 : memref<!tpu.dma_semaphore, #tpu.memory_space<semaphore_mem>>)
    %add3A_18 = arith.constant 3200 : i32
    %add3A_19 = arith.addi %mul3A_2, %add3A_18 : i32
    "tpu.region"() ({
      %run_scoped3A = tpu.sem_alloc : memref<!tpu.dma_semaphore, #tpu.memory_space<semaphore_mem>>
      %dma_start3A_89 = tpu.memref_slice %arg3[%add3A_19] : memref<256000xi32, #tpu.memory_space<hbm>> -> memref<1600xi32, #tpu.memory_space<hbm>>
      %dma_start3A_90 = tpu.memref_slice %arg3[%add3A_19] : memref<256000xi32, #tpu.memory_space<hbm>> -> memref<1600xi32, #tpu.memory_space<hbm>>
      tpu.enqueue_dma source(%dma_start3A_90 : memref<1600xi32, #tpu.memory_space<hbm>>) target(%arg5 : memref<1600xi32, #tpu.memory_space<vmem>>) target_semaphore(%run_scoped3A : memref<!tpu.dma_semaphore, #tpu.memory_space<semaphore_mem>>)
      %dma_wait3A_91 = tpu.memref_slice %arg3[%add3A_19] : memref<256000xi32, #tpu.memory_space<hbm>> -> memref<1600xi32, #tpu.memory_space<hbm>>
      %dma_wait3A_92 = tpu.memref_slice %arg3[%add3A_19] : memref<256000xi32, #tpu.memory_space<hbm>> -> memref<1600xi32, #tpu.memory_space<hbm>>
      tpu.wait_dma2 semaphore(%run_scoped3A : memref<!tpu.dma_semaphore, #tpu.memory_space<semaphore_mem>>) src(%dma_wait3A_92 : memref<1600xi32, #tpu.memory_space<hbm>>) dst(%arg5 : memref<1600xi32, #tpu.memory_space<vmem>>)
      tpu.yield
    }) : () -> ()
    %dma_wait3A_20 = arith.constant 0 : i32
    %dma_wait3A_21 = tpu.memref_slice %arg4[%add3A_13, %dma_wait3A_20] : memref<256000x32xf32, #tpu.memory_space<hbm>> -> memref<1600x32xf32, #tpu.memory_space<hbm>>
    %dma_wait3A_22 = arith.constant 0 : i32
    %dma_wait3A_23 = tpu.memref_slice %arg4[%add3A_13, %dma_wait3A_22] : memref<256000x32xf32, #tpu.memory_space<hbm>> -> memref<1600x32xf32, #tpu.memory_space<hbm>>
    tpu.wait_dma2 semaphore(%arg11 : memref<!tpu.dma_semaphore, #tpu.memory_space<semaphore_mem>>) src(%arg7 : memref<1600x32xf32, #tpu.memory_space<vmem>>) dst(%dma_wait3A_23 : memref<1600x32xf32, #tpu.memory_space<hbm>>)
    %dma_start3A_24 = arith.constant 0 : i32
    %dma_start3A_25 = arith.constant 0 : i32
    %dma_start3A_26 = tpu.memref_slice %arg2[%dma_start3A_24, %dma_start3A_25] : memref<2000x32xf32, #tpu.memory_space<hbm>> -> memref<2000x32xf32, #tpu.memory_space<hbm>>
    tpu.enqueue_indirect_dma source(%dma_start3A_26 : memref<2000x32xf32, #tpu.memory_space<hbm>>) target(%arg7 : memref<1600x32xf32, #tpu.memory_space<vmem>>) offsets(%arg5 : memref<1600xi32, #tpu.memory_space<vmem>>) semaphore(%arg9 : memref<!tpu.dma_semaphore, #tpu.memory_space<semaphore_mem>>)
    %dma_wait3A_27 = arith.constant 0 : i32
    %dma_wait3A_28 = arith.constant 0 : i32
    %dma_wait3A_29 = tpu.memref_slice %arg2[%dma_wait3A_27, %dma_wait3A_28] : memref<2000x32xf32, #tpu.memory_space<hbm>> -> memref<2000x32xf32, #tpu.memory_space<hbm>>
    tpu.wait_indirect_dma semaphore(%arg10 : memref<!tpu.dma_semaphore, #tpu.memory_space<semaphore_mem>>) src(%dma_wait3A_29 : memref<2000x32xf32, #tpu.memory_space<hbm>>) dst(%arg8 : memref<1600x32xf32, #tpu.memory_space<vmem>>)
    %add3A_30 = arith.constant 1600 : i32
    %add3A_31 = arith.addi %mul3A_2, %add3A_30 : i32
    %dma_start3A_32 = arith.constant 0 : i32
    %dma_start3A_33 = tpu.memref_slice %arg4[%add3A_31, %dma_start3A_32] : memref<256000x32xf32, #tpu.memory_space<hbm>> -> memref<1600x32xf32, #tpu.memory_space<hbm>>
    %dma_start3A_34 = arith.constant 0 : i32
    %dma_start3A_35 = tpu.memref_slice %arg4[%add3A_31, %dma_start3A_34] : memref<256000x32xf32, #tpu.memory_space<hbm>> -> memref<1600x32xf32, #tpu.memory_space<hbm>>
    tpu.enqueue_dma source(%arg8 : memref<1600x32xf32, #tpu.memory_space<vmem>>) target(%dma_start3A_35 : memref<1600x32xf32, #tpu.memory_space<hbm>>) target_semaphore(%arg12 : memref<!tpu.dma_semaphore, #tpu.memory_space<semaphore_mem>>)
    %add3A_36 = arith.constant 4800 : i32
    %add3A_37 = arith.addi %mul3A_2, %add3A_36 : i32
    "tpu.region"() ({
      %run_scoped3A = tpu.sem_alloc : memref<!tpu.dma_semaphore, #tpu.memory_space<semaphore_mem>>
      %dma_start3A_89 = tpu.memref_slice %arg3[%add3A_37] : memref<256000xi32, #tpu.memory_space<hbm>> -> memref<1600xi32, #tpu.memory_space<hbm>>
      %dma_start3A_90 = tpu.memref_slice %arg3[%add3A_37] : memref<256000xi32, #tpu.memory_space<hbm>> -> memref<1600xi32, #tpu.memory_space<hbm>>
      tpu.enqueue_dma source(%dma_start3A_90 : memref<1600xi32, #tpu.memory_space<hbm>>) target(%arg6 : memref<1600xi32, #tpu.memory_space<vmem>>) target_semaphore(%run_scoped3A : memref<!tpu.dma_semaphore, #tpu.memory_space<semaphore_mem>>)
      %dma_wait3A_91 = tpu.memref_slice %arg3[%add3A_37] : memref<256000xi32, #tpu.memory_space<hbm>> -> memref<1600xi32, #tpu.memory_space<hbm>>
      %dma_wait3A_92 = tpu.memref_slice %arg3[%add3A_37] : memref<256000xi32, #tpu.memory_space<hbm>> -> memref<1600xi32, #tpu.memory_space<hbm>>
      tpu.wait_dma2 semaphore(%run_scoped3A : memref<!tpu.dma_semaphore, #tpu.memory_space<semaphore_mem>>) src(%dma_wait3A_92 : memref<1600xi32, #tpu.memory_space<hbm>>) dst(%arg6 : memref<1600xi32, #tpu.memory_space<vmem>>)
      tpu.yield
    }) : () -> ()
    %dma_wait3A_38 = arith.constant 0 : i32
    %dma_wait3A_39 = tpu.memref_slice %arg4[%add3A_31, %dma_wait3A_38] : memref<256000x32xf32, #tpu.memory_space<hbm>> -> memref<1600x32xf32, #tpu.memory_space<hbm>>
    %dma_wait3A_40 = arith.constant 0 : i32
    %dma_wait3A_41 = tpu.memref_slice %arg4[%add3A_31, %dma_wait3A_40] : memref<256000x32xf32, #tpu.memory_space<hbm>> -> memref<1600x32xf32, #tpu.memory_space<hbm>>
    tpu.wait_dma2 semaphore(%arg12 : memref<!tpu.dma_semaphore, #tpu.memory_space<semaphore_mem>>) src(%arg8 : memref<1600x32xf32, #tpu.memory_space<vmem>>) dst(%dma_wait3A_41 : memref<1600x32xf32, #tpu.memory_space<hbm>>)
    %dma_start3A_42 = arith.constant 0 : i32
    %dma_start3A_43 = arith.constant 0 : i32
    %dma_start3A_44 = tpu.memref_slice %arg2[%dma_start3A_42, %dma_start3A_43] : memref<2000x32xf32, #tpu.memory_space<hbm>> -> memref<2000x32xf32, #tpu.memory_space<hbm>>
    tpu.enqueue_indirect_dma source(%dma_start3A_44 : memref<2000x32xf32, #tpu.memory_space<hbm>>) target(%arg8 : memref<1600x32xf32, #tpu.memory_space<vmem>>) offsets(%arg6 : memref<1600xi32, #tpu.memory_space<vmem>>) semaphore(%arg10 : memref<!tpu.dma_semaphore, #tpu.memory_space<semaphore_mem>>)
    %dma_wait3A_45 = arith.constant 0 : i32
    %dma_wait3A_46 = arith.constant 0 : i32
    %dma_wait3A_47 = tpu.memref_slice %arg2[%dma_wait3A_45, %dma_wait3A_46] : memref<2000x32xf32, #tpu.memory_space<hbm>> -> memref<2000x32xf32, #tpu.memory_space<hbm>>
    tpu.wait_indirect_dma semaphore(%arg9 : memref<!tpu.dma_semaphore, #tpu.memory_space<semaphore_mem>>) src(%dma_wait3A_47 : memref<2000x32xf32, #tpu.memory_space<hbm>>) dst(%arg7 : memref<1600x32xf32, #tpu.memory_space<vmem>>)
    %add3A_48 = arith.constant 3200 : i32
    %add3A_49 = arith.addi %mul3A_2, %add3A_48 : i32
    %dma_start3A_50 = arith.constant 0 : i32
    %dma_start3A_51 = tpu.memref_slice %arg4[%add3A_49, %dma_start3A_50] : memref<256000x32xf32, #tpu.memory_space<hbm>> -> memref<1600x32xf32, #tpu.memory_space<hbm>>
    %dma_start3A_52 = arith.constant 0 : i32
    %dma_start3A_53 = tpu.memref_slice %arg4[%add3A_49, %dma_start3A_52] : memref<256000x32xf32, #tpu.memory_space<hbm>> -> memref<1600x32xf32, #tpu.memory_space<hbm>>
    tpu.enqueue_dma source(%arg7 : memref<1600x32xf32, #tpu.memory_space<vmem>>) target(%dma_start3A_53 : memref<1600x32xf32, #tpu.memory_space<hbm>>) target_semaphore(%arg11 : memref<!tpu.dma_semaphore, #tpu.memory_space<semaphore_mem>>)
    %add3A_54 = arith.constant 6400 : i32
    %add3A_55 = arith.addi %mul3A_2, %add3A_54 : i32
    "tpu.region"() ({
      %run_scoped3A = tpu.sem_alloc : memref<!tpu.dma_semaphore, #tpu.memory_space<semaphore_mem>>
      %dma_start3A_89 = tpu.memref_slice %arg3[%add3A_55] : memref<256000xi32, #tpu.memory_space<hbm>> -> memref<1600xi32, #tpu.memory_space<hbm>>
      %dma_start3A_90 = tpu.memref_slice %arg3[%add3A_55] : memref<256000xi32, #tpu.memory_space<hbm>> -> memref<1600xi32, #tpu.memory_space<hbm>>
      tpu.enqueue_dma source(%dma_start3A_90 : memref<1600xi32, #tpu.memory_space<hbm>>) target(%arg5 : memref<1600xi32, #tpu.memory_space<vmem>>) target_semaphore(%run_scoped3A : memref<!tpu.dma_semaphore, #tpu.memory_space<semaphore_mem>>)
      %dma_wait3A_91 = tpu.memref_slice %arg3[%add3A_55] : memref<256000xi32, #tpu.memory_space<hbm>> -> memref<1600xi32, #tpu.memory_space<hbm>>
      %dma_wait3A_92 = tpu.memref_slice %arg3[%add3A_55] : memref<256000xi32, #tpu.memory_space<hbm>> -> memref<1600xi32, #tpu.memory_space<hbm>>
      tpu.wait_dma2 semaphore(%run_scoped3A : memref<!tpu.dma_semaphore, #tpu.memory_space<semaphore_mem>>) src(%dma_wait3A_92 : memref<1600xi32, #tpu.memory_space<hbm>>) dst(%arg5 : memref<1600xi32, #tpu.memory_space<vmem>>)
      tpu.yield
    }) : () -> ()
    %dma_wait3A_56 = arith.constant 0 : i32
    %dma_wait3A_57 = tpu.memref_slice %arg4[%add3A_49, %dma_wait3A_56] : memref<256000x32xf32, #tpu.memory_space<hbm>> -> memref<1600x32xf32, #tpu.memory_space<hbm>>
    %dma_wait3A_58 = arith.constant 0 : i32
    %dma_wait3A_59 = tpu.memref_slice %arg4[%add3A_49, %dma_wait3A_58] : memref<256000x32xf32, #tpu.memory_space<hbm>> -> memref<1600x32xf32, #tpu.memory_space<hbm>>
    tpu.wait_dma2 semaphore(%arg11 : memref<!tpu.dma_semaphore, #tpu.memory_space<semaphore_mem>>) src(%arg7 : memref<1600x32xf32, #tpu.memory_space<vmem>>) dst(%dma_wait3A_59 : memref<1600x32xf32, #tpu.memory_space<hbm>>)
    %dma_start3A_60 = arith.constant 0 : i32
    %dma_start3A_61 = arith.constant 0 : i32
    %dma_start3A_62 = tpu.memref_slice %arg2[%dma_start3A_60, %dma_start3A_61] : memref<2000x32xf32, #tpu.memory_space<hbm>> -> memref<2000x32xf32, #tpu.memory_space<hbm>>
    tpu.enqueue_indirect_dma source(%dma_start3A_62 : memref<2000x32xf32, #tpu.memory_space<hbm>>) target(%arg7 : memref<1600x32xf32, #tpu.memory_space<vmem>>) offsets(%arg5 : memref<1600xi32, #tpu.memory_space<vmem>>) semaphore(%arg9 : memref<!tpu.dma_semaphore, #tpu.memory_space<semaphore_mem>>)
    %dma_wait3A_63 = arith.constant 0 : i32
    %dma_wait3A_64 = arith.constant 0 : i32
    %dma_wait3A_65 = tpu.memref_slice %arg2[%dma_wait3A_63, %dma_wait3A_64] : memref<2000x32xf32, #tpu.memory_space<hbm>> -> memref<2000x32xf32, #tpu.memory_space<hbm>>
    tpu.wait_indirect_dma semaphore(%arg10 : memref<!tpu.dma_semaphore, #tpu.memory_space<semaphore_mem>>) src(%dma_wait3A_65 : memref<2000x32xf32, #tpu.memory_space<hbm>>) dst(%arg8 : memref<1600x32xf32, #tpu.memory_space<vmem>>)
    %add3A_66 = arith.constant 4800 : i32
    %add3A_67 = arith.addi %mul3A_2, %add3A_66 : i32
    %dma_start3A_68 = arith.constant 0 : i32
    %dma_start3A_69 = tpu.memref_slice %arg4[%add3A_67, %dma_start3A_68] : memref<256000x32xf32, #tpu.memory_space<hbm>> -> memref<1600x32xf32, #tpu.memory_space<hbm>>
    %dma_start3A_70 = arith.constant 0 : i32
    %dma_start3A_71 = tpu.memref_slice %arg4[%add3A_67, %dma_start3A_70] : memref<256000x32xf32, #tpu.memory_space<hbm>> -> memref<1600x32xf32, #tpu.memory_space<hbm>>
    tpu.enqueue_dma source(%arg8 : memref<1600x32xf32, #tpu.memory_space<vmem>>) target(%dma_start3A_71 : memref<1600x32xf32, #tpu.memory_space<hbm>>) target_semaphore(%arg12 : memref<!tpu.dma_semaphore, #tpu.memory_space<semaphore_mem>>)
    %dma_wait3A_72 = arith.constant 0 : i32
    %dma_wait3A_73 = arith.constant 0 : i32
    %dma_wait3A_74 = tpu.memref_slice %arg2[%dma_wait3A_72, %dma_wait3A_73] : memref<2000x32xf32, #tpu.memory_space<hbm>> -> memref<2000x32xf32, #tpu.memory_space<hbm>>
    tpu.wait_indirect_dma semaphore(%arg9 : memref<!tpu.dma_semaphore, #tpu.memory_space<semaphore_mem>>) src(%dma_wait3A_74 : memref<2000x32xf32, #tpu.memory_space<hbm>>) dst(%arg7 : memref<1600x32xf32, #tpu.memory_space<vmem>>)
    %add3A_75 = arith.constant 6400 : i32
    %add3A_76 = arith.addi %mul3A_2, %add3A_75 : i32
    %dma_start3A_77 = arith.constant 0 : i32
    %dma_start3A_78 = tpu.memref_slice %arg4[%add3A_76, %dma_start3A_77] : memref<256000x32xf32, #tpu.memory_space<hbm>> -> memref<1600x32xf32, #tpu.memory_space<hbm>>
    %dma_start3A_79 = arith.constant 0 : i32
    %dma_start3A_80 = tpu.memref_slice %arg4[%add3A_76, %dma_start3A_79] : memref<256000x32xf32, #tpu.memory_space<hbm>> -> memref<1600x32xf32, #tpu.memory_space<hbm>>
    tpu.enqueue_dma source(%arg7 : memref<1600x32xf32, #tpu.memory_space<vmem>>) target(%dma_start3A_80 : memref<1600x32xf32, #tpu.memory_space<hbm>>) target_semaphore(%arg11 : memref<!tpu.dma_semaphore, #tpu.memory_space<semaphore_mem>>)
    %dma_wait3A_81 = arith.constant 0 : i32
    %dma_wait3A_82 = tpu.memref_slice %arg4[%add3A_67, %dma_wait3A_81] : memref<256000x32xf32, #tpu.memory_space<hbm>> -> memref<1600x32xf32, #tpu.memory_space<hbm>>
    %dma_wait3A_83 = arith.constant 0 : i32
    %dma_wait3A_84 = tpu.memref_slice %arg4[%add3A_67, %dma_wait3A_83] : memref<256000x32xf32, #tpu.memory_space<hbm>> -> memref<1600x32xf32, #tpu.memory_space<hbm>>
    tpu.wait_dma2 semaphore(%arg12 : memref<!tpu.dma_semaphore, #tpu.memory_space<semaphore_mem>>) src(%arg8 : memref<1600x32xf32, #tpu.memory_space<vmem>>) dst(%dma_wait3A_84 : memref<1600x32xf32, #tpu.memory_space<hbm>>)
    %dma_wait3A_85 = arith.constant 0 : i32
    %dma_wait3A_86 = tpu.memref_slice %arg4[%add3A_76, %dma_wait3A_85] : memref<256000x32xf32, #tpu.memory_space<hbm>> -> memref<1600x32xf32, #tpu.memory_space<hbm>>
    %dma_wait3A_87 = arith.constant 0 : i32
    %dma_wait3A_88 = tpu.memref_slice %arg4[%add3A_76, %dma_wait3A_87] : memref<256000x32xf32, #tpu.memory_space<hbm>> -> memref<1600x32xf32, #tpu.memory_space<hbm>>
    tpu.wait_dma2 semaphore(%arg11 : memref<!tpu.dma_semaphore, #tpu.memory_space<semaphore_mem>>) src(%arg7 : memref<1600x32xf32, #tpu.memory_space<vmem>>) dst(%dma_wait3A_88 : memref<1600x32xf32, #tpu.memory_space<hbm>>)
    return
  }
}

module attributes {stable_mosaic.version = 14 : i64} {
  func.func @_renorm_body(%arg0: memref<2000x32xf32, #tpu.memory_space<vmem>>, %arg1: memref<2000x32xf32, #tpu.memory_space<vmem>>) attributes {dimension_semantics = [], scalar_prefetch = 0 : i64, scratch_operands = 0 : i64, tpu.core_type = #tpu.core_type<tc>} {
    %get3A = arith.constant 0 : index
    %get3A_0 = arith.constant 0 : index
    %get3A_1 = vector.load %arg0[%get3A, %get3A_0] : memref<2000x32xf32, #tpu.memory_space<vmem>>, vector<2000x32xf32>
    %mul3A = arith.mulf %get3A_1, %get3A_1 : vector<2000x32xf32>
    %reduce_sum3A = arith.constant dense<0.000000e+00> : vector<2000xf32>
    %reduce_sum3A_2 = vector.multi_reduction <add>, %mul3A, %reduce_sum3A [1] : vector<2000x32xf32> to vector<2000xf32>
    %broadcast_in_dim3A = vector.shape_cast %reduce_sum3A_2 : vector<2000xf32> to vector<2000x1xf32>
    %sqrt3A = math.sqrt %broadcast_in_dim3A : vector<2000x1xf32>
    %gt3A = arith.constant 5.000000e+01 : f32
    %gt3A_3 = vector.broadcast %gt3A : f32 to vector<2000x1xf32>
    %gt3A_4 = arith.cmpf ogt, %sqrt3A, %gt3A_3 : vector<2000x1xf32>
    %max3A = arith.constant 9.99999996E-13 : f32
    %max3A_5 = vector.broadcast %max3A : f32 to vector<2000x1xf32>
    %max3A_6 = arith.maximumf %sqrt3A, %max3A_5 : vector<2000x1xf32>
    %div3A = arith.constant 5.000000e+01 : f32
    %div3A_7 = vector.broadcast %div3A : f32 to vector<2000x1xf32>
    %div3A_8 = arith.divf %div3A_7, %max3A_6 : vector<2000x1xf32>
    %jit3A = arith.constant 1.000000e+00 : f32
    %broadcast_in_dim3A_9 = vector.broadcast %jit3A : f32 to vector<2000x1xf32>
    %select_n3A = arith.select %gt3A_4, %div3A_8, %broadcast_in_dim3A_9 : vector<2000x1xi1>, vector<2000x1xf32>
    %mul3A_10 = vector.broadcast %select_n3A : vector<2000x1xf32> to vector<2000x32xf32>
    %mul3A_11 = arith.mulf %get3A_1, %mul3A_10 : vector<2000x32xf32>
    %swap3A = arith.constant 0 : index
    %swap3A_12 = arith.constant 0 : index
    %swap3A_13 = vector.load %arg1[%swap3A, %swap3A_12] : memref<2000x32xf32, #tpu.memory_space<vmem>>, vector<2000x32xf32>
    tpu.vector_store %arg1[%swap3A, %swap3A_12], %mul3A_11 {strides = array<i32>} : memref<2000x32xf32, #tpu.memory_space<vmem>>, vector<2000x32xf32>,
    return
  }
}

module attributes {stable_mosaic.version = 14 : i64} {
  func.func @_mlp_body(%arg0: i32, %arg1: memref<512x1600xf32, #tpu.memory_space<vmem>>, %arg2: memref<1600x256xf32, #tpu.memory_space<vmem>>, %arg3: memref<1x256xf32, #tpu.memory_space<vmem>>, %arg4: memref<256x10xf32, #tpu.memory_space<vmem>>, %arg5: memref<1x10xf32, #tpu.memory_space<vmem>>, %arg6: memref<512x10xf32, #tpu.memory_space<vmem>>) attributes {dimension_semantics = [#tpu.dimension_semantics<arbitrary>], iteration_bounds = array<i64: 4>, scalar_prefetch = 0 : i64, scratch_operands = 0 : i64, tpu.core_type = #tpu.core_type<tc>, window_params = [{transform_indices = @transform_0, window_bounds = array<i64: 512, 1600>}, {pipeline_mode = #tpu.pipeline_mode<synchronous>, transform_indices = @transform_1, window_bounds = array<i64: 1600, 256>}, {pipeline_mode = #tpu.pipeline_mode<synchronous>, transform_indices = @transform_2, window_bounds = array<i64: 1, 256>}, {pipeline_mode = #tpu.pipeline_mode<synchronous>, transform_indices = @transform_3, window_bounds = array<i64: 256, 10>}, {pipeline_mode = #tpu.pipeline_mode<synchronous>, transform_indices = @transform_4, window_bounds = array<i64: 1, 10>}, {transform_indices = @transform_5, window_bounds = array<i64: 512, 10>}]} {
    %get3A = arith.constant 0 : index
    %get3A_0 = arith.constant 0 : index
    %get3A_1 = vector.load %arg1[%get3A, %get3A_0] : memref<512x1600xf32, #tpu.memory_space<vmem>>, vector<512x1600xf32>
    %get3A_2 = arith.constant 0 : index
    %get3A_3 = arith.constant 0 : index
    %get3A_4 = vector.load %arg2[%get3A_2, %get3A_3] : memref<1600x256xf32, #tpu.memory_space<vmem>>, vector<1600x256xf32>
    %dot_general3A = arith.constant dense<0.000000e+00> : vector<512x256xf32>
    %dot_general3A_5 = tpu.matmul %get3A_1, %get3A_4, %dot_general3A {dimension_numbers = #tpu.dot_dimension_numbers<[1], [0], [0], [1], [0, 0, 1, 1], [], []>, transpose_lhs_hint = false} : vector<512x1600xf32>, vector<1600x256xf32>, vector<512x256xf32> -> vector<512x256xf32>
    %get3A_6 = arith.constant 0 : index
    %get3A_7 = arith.constant 0 : index
    %get3A_8 = vector.load %arg3[%get3A_6, %get3A_7] : memref<1x256xf32, #tpu.memory_space<vmem>>, vector<1x256xf32>
    %add3A = vector.broadcast %get3A_8 : vector<1x256xf32> to vector<512x256xf32>
    %add3A_9 = arith.addf %dot_general3A_5, %add3A : vector<512x256xf32>
    %max3A = arith.constant 0.000000e+00 : f32
    %max3A_10 = vector.broadcast %max3A : f32 to vector<512x256xf32>
    %max3A_11 = arith.maximumf %add3A_9, %max3A_10 : vector<512x256xf32>
    %get3A_12 = arith.constant 0 : index
    %get3A_13 = arith.constant 0 : index
    %get3A_14 = vector.load %arg4[%get3A_12, %get3A_13] : memref<256x10xf32, #tpu.memory_space<vmem>>, vector<256x10xf32>
    %dot_general3A_15 = arith.constant dense<0.000000e+00> : vector<512x10xf32>
    %dot_general3A_16 = tpu.matmul %max3A_11, %get3A_14, %dot_general3A_15 {dimension_numbers = #tpu.dot_dimension_numbers<[1], [0], [0], [1], [0, 0, 1, 1], [], []>, transpose_lhs_hint = false} : vector<512x256xf32>, vector<256x10xf32>, vector<512x10xf32> -> vector<512x10xf32>
    %get3A_17 = arith.constant 0 : index
    %get3A_18 = arith.constant 0 : index
    %get3A_19 = vector.load %arg5[%get3A_17, %get3A_18] : memref<1x10xf32, #tpu.memory_space<vmem>>, vector<1x10xf32>
    %add3A_20 = vector.broadcast %get3A_19 : vector<1x10xf32> to vector<512x10xf32>
    %add3A_21 = arith.addf %dot_general3A_16, %add3A_20 : vector<512x10xf32>
    %reduce_max3A = arith.constant dense<0xFF800000> : vector<512xf32>
    %reduce_max3A_22 = vector.multi_reduction <maximumf>, %add3A_21, %reduce_max3A [1] : vector<512x10xf32> to vector<512xf32>
    %broadcast_in_dim3A = vector.shape_cast %reduce_max3A_22 : vector<512xf32> to vector<512x1xf32>
    %sub3A = vector.broadcast %broadcast_in_dim3A : vector<512x1xf32> to vector<512x10xf32>
    %sub3A_23 = arith.subf %add3A_21, %sub3A : vector<512x10xf32>
    %exp3A = math.exp %sub3A_23 : vector<512x10xf32>
    %reduce_sum3A = arith.constant dense<0.000000e+00> : vector<512xf32>
    %reduce_sum3A_24 = vector.multi_reduction <add>, %exp3A, %reduce_sum3A [1] : vector<512x10xf32> to vector<512xf32>
    %broadcast_in_dim3A_25 = vector.shape_cast %reduce_sum3A_24 : vector<512xf32> to vector<512x1xf32>
    %div3A = vector.broadcast %broadcast_in_dim3A_25 : vector<512x1xf32> to vector<512x10xf32>
    %div3A_26 = arith.divf %exp3A, %div3A : vector<512x10xf32>
    %swap3A = arith.constant 0 : index
    %swap3A_27 = arith.constant 0 : index
    %swap3A_28 = vector.load %arg6[%swap3A, %swap3A_27] : memref<512x10xf32, #tpu.memory_space<vmem>>, vector<512x10xf32>
    tpu.vector_store %arg6[%swap3A, %swap3A_27], %div3A_26 {strides = array<i32>} : memref<512x10xf32, #tpu.memory_space<vmem>>, vector<512x10xf32>,
    return
  }
  func.func @transform_0(%arg0: i32) -> (i32, i32) {
    %c0_i32 = arith.constant 0 : i32
    %c0_i32_0 = arith.constant 0 : i32
    return %arg0, %c0_i32 : i32, i32
  }
  func.func @transform_1(%arg0: i32) -> (i32, i32) {
    %c0_i32 = arith.constant 0 : i32
    %c0_i32_0 = arith.constant 0 : i32
    %c0_i32_1 = arith.constant 0 : i32
    return %c0_i32, %c0_i32_0 : i32, i32
  }
  func.func @transform_2(%arg0: i32) -> (i32, i32) {
    %c0_i32 = arith.constant 0 : i32
    %c0_i32_0 = arith.constant 0 : i32
    %c0_i32_1 = arith.constant 0 : i32
    return %c0_i32, %c0_i32_0 : i32, i32
  }
  func.func @transform_3(%arg0: i32) -> (i32, i32) {
    %c0_i32 = arith.constant 0 : i32
    %c0_i32_0 = arith.constant 0 : i32
    %c0_i32_1 = arith.constant 0 : i32
    return %c0_i32, %c0_i32_0 : i32, i32
  }
  func.func @transform_4(%arg0: i32) -> (i32, i32) {
    %c0_i32 = arith.constant 0 : i32
    %c0_i32_0 = arith.constant 0 : i32
    %c0_i32_1 = arith.constant 0 : i32
    return %c0_i32, %c0_i32_0 : i32, i32
  }
  func.func @transform_5(%arg0: i32) -> (i32, i32) {
    %c0_i32 = arith.constant 0 : i32
    %c0_i32_0 = arith.constant 0 : i32
    return %arg0, %c0_i32 : i32, i32
  }
}

module attributes {stable_mosaic.version = 14 : i64} {
  func.func @_mlp_body(%arg0: i32, %arg1: memref<512x1600xf32, #tpu.memory_space<vmem>>, %arg2: memref<1600x256xf32, #tpu.memory_space<vmem>>, %arg3: memref<1x256xf32, #tpu.memory_space<vmem>>, %arg4: memref<256x10xf32, #tpu.memory_space<vmem>>, %arg5: memref<1x10xf32, #tpu.memory_space<vmem>>, %arg6: memref<512x10xf32, #tpu.memory_space<vmem>>) attributes {dimension_semantics = [#tpu.dimension_semantics<arbitrary>], iteration_bounds = array<i64: 8>, scalar_prefetch = 0 : i64, scratch_operands = 0 : i64, tpu.core_type = #tpu.core_type<tc>, window_params = [{transform_indices = @transform_0, window_bounds = array<i64: 512, 1600>}, {pipeline_mode = #tpu.pipeline_mode<synchronous>, transform_indices = @transform_1, window_bounds = array<i64: 1600, 256>}, {pipeline_mode = #tpu.pipeline_mode<synchronous>, transform_indices = @transform_2, window_bounds = array<i64: 1, 256>}, {pipeline_mode = #tpu.pipeline_mode<synchronous>, transform_indices = @transform_3, window_bounds = array<i64: 256, 10>}, {pipeline_mode = #tpu.pipeline_mode<synchronous>, transform_indices = @transform_4, window_bounds = array<i64: 1, 10>}, {transform_indices = @transform_5, window_bounds = array<i64: 512, 10>}]} {
    %get3A = arith.constant 0 : index
    %get3A_0 = arith.constant 0 : index
    %get3A_1 = vector.load %arg1[%get3A, %get3A_0] : memref<512x1600xf32, #tpu.memory_space<vmem>>, vector<512x1600xf32>
    %get3A_2 = arith.constant 0 : index
    %get3A_3 = arith.constant 0 : index
    %get3A_4 = vector.load %arg2[%get3A_2, %get3A_3] : memref<1600x256xf32, #tpu.memory_space<vmem>>, vector<1600x256xf32>
    %dot_general3A = arith.constant dense<0.000000e+00> : vector<512x256xf32>
    %dot_general3A_5 = tpu.matmul %get3A_1, %get3A_4, %dot_general3A {dimension_numbers = #tpu.dot_dimension_numbers<[1], [0], [0], [1], [0, 0, 1, 1], [], []>, transpose_lhs_hint = false} : vector<512x1600xf32>, vector<1600x256xf32>, vector<512x256xf32> -> vector<512x256xf32>
    %get3A_6 = arith.constant 0 : index
    %get3A_7 = arith.constant 0 : index
    %get3A_8 = vector.load %arg3[%get3A_6, %get3A_7] : memref<1x256xf32, #tpu.memory_space<vmem>>, vector<1x256xf32>
    %add3A = vector.broadcast %get3A_8 : vector<1x256xf32> to vector<512x256xf32>
    %add3A_9 = arith.addf %dot_general3A_5, %add3A : vector<512x256xf32>
    %max3A = arith.constant 0.000000e+00 : f32
    %max3A_10 = vector.broadcast %max3A : f32 to vector<512x256xf32>
    %max3A_11 = arith.maximumf %add3A_9, %max3A_10 : vector<512x256xf32>
    %get3A_12 = arith.constant 0 : index
    %get3A_13 = arith.constant 0 : index
    %get3A_14 = vector.load %arg4[%get3A_12, %get3A_13] : memref<256x10xf32, #tpu.memory_space<vmem>>, vector<256x10xf32>
    %dot_general3A_15 = arith.constant dense<0.000000e+00> : vector<512x10xf32>
    %dot_general3A_16 = tpu.matmul %max3A_11, %get3A_14, %dot_general3A_15 {dimension_numbers = #tpu.dot_dimension_numbers<[1], [0], [0], [1], [0, 0, 1, 1], [], []>, transpose_lhs_hint = false} : vector<512x256xf32>, vector<256x10xf32>, vector<512x10xf32> -> vector<512x10xf32>
    %get3A_17 = arith.constant 0 : index
    %get3A_18 = arith.constant 0 : index
    %get3A_19 = vector.load %arg5[%get3A_17, %get3A_18] : memref<1x10xf32, #tpu.memory_space<vmem>>, vector<1x10xf32>
    %add3A_20 = vector.broadcast %get3A_19 : vector<1x10xf32> to vector<512x10xf32>
    %add3A_21 = arith.addf %dot_general3A_16, %add3A_20 : vector<512x10xf32>
    %reduce_max3A = arith.constant dense<0xFF800000> : vector<512xf32>
    %reduce_max3A_22 = vector.multi_reduction <maximumf>, %add3A_21, %reduce_max3A [1] : vector<512x10xf32> to vector<512xf32>
    %broadcast_in_dim3A = vector.shape_cast %reduce_max3A_22 : vector<512xf32> to vector<512x1xf32>
    %sub3A = vector.broadcast %broadcast_in_dim3A : vector<512x1xf32> to vector<512x10xf32>
    %sub3A_23 = arith.subf %add3A_21, %sub3A : vector<512x10xf32>
    %exp3A = math.exp %sub3A_23 : vector<512x10xf32>
    %reduce_sum3A = arith.constant dense<0.000000e+00> : vector<512xf32>
    %reduce_sum3A_24 = vector.multi_reduction <add>, %exp3A, %reduce_sum3A [1] : vector<512x10xf32> to vector<512xf32>
    %broadcast_in_dim3A_25 = vector.shape_cast %reduce_sum3A_24 : vector<512xf32> to vector<512x1xf32>
    %div3A = vector.broadcast %broadcast_in_dim3A_25 : vector<512x1xf32> to vector<512x10xf32>
    %div3A_26 = arith.divf %exp3A, %div3A : vector<512x10xf32>
    %swap3A = arith.constant 0 : index
    %swap3A_27 = arith.constant 0 : index
    %swap3A_28 = vector.load %arg6[%swap3A, %swap3A_27] : memref<512x10xf32, #tpu.memory_space<vmem>>, vector<512x10xf32>
    tpu.vector_store %arg6[%swap3A, %swap3A_27], %div3A_26 {strides = array<i32>} : memref<512x10xf32, #tpu.memory_space<vmem>>, vector<512x10xf32>,
    return
  }
  func.func @transform_0(%arg0: i32) -> (i32, i32) {
    %c0_i32 = arith.constant 0 : i32
    %c0_i32_0 = arith.constant 0 : i32
    return %arg0, %c0_i32 : i32, i32
  }
  func.func @transform_1(%arg0: i32) -> (i32, i32) {
    %c0_i32 = arith.constant 0 : i32
    %c0_i32_0 = arith.constant 0 : i32
    %c0_i32_1 = arith.constant 0 : i32
    return %c0_i32, %c0_i32_0 : i32, i32
  }
  func.func @transform_2(%arg0: i32) -> (i32, i32) {
    %c0_i32 = arith.constant 0 : i32
    %c0_i32_0 = arith.constant 0 : i32
    %c0_i32_1 = arith.constant 0 : i32
    return %c0_i32, %c0_i32_0 : i32, i32
  }
  func.func @transform_3(%arg0: i32) -> (i32, i32) {
    %c0_i32 = arith.constant 0 : i32
    %c0_i32_0 = arith.constant 0 : i32
    %c0_i32_1 = arith.constant 0 : i32
    return %c0_i32, %c0_i32_0 : i32, i32
  }
  func.func @transform_4(%arg0: i32) -> (i32, i32) {
    %c0_i32 = arith.constant 0 : i32
    %c0_i32_0 = arith.constant 0 : i32
    %c0_i32_1 = arith.constant 0 : i32
    return %c0_i32, %c0_i32_0 : i32, i32
  }
  func.func @transform_5(%arg0: i32) -> (i32, i32) {
    %c0_i32 = arith.constant 0 : i32
    %c0_i32_0 = arith.constant 0 : i32
    return %arg0, %c0_i32 : i32, i32
  }
}

module attributes {stable_mosaic.version = 14 : i64} {
  func.func @_mlp_body(%arg0: i32, %arg1: memref<512x1600xf32, #tpu.memory_space<vmem>>, %arg2: memref<1600x256xf32, #tpu.memory_space<vmem>>, %arg3: memref<1x256xf32, #tpu.memory_space<vmem>>, %arg4: memref<256x10xf32, #tpu.memory_space<vmem>>, %arg5: memref<1x10xf32, #tpu.memory_space<vmem>>, %arg6: memref<512x10xf32, #tpu.memory_space<vmem>>) attributes {dimension_semantics = [#tpu.dimension_semantics<arbitrary>], iteration_bounds = array<i64: 10>, scalar_prefetch = 0 : i64, scratch_operands = 0 : i64, tpu.core_type = #tpu.core_type<tc>, window_params = [{transform_indices = @transform_0, window_bounds = array<i64: 512, 1600>}, {pipeline_mode = #tpu.pipeline_mode<synchronous>, transform_indices = @transform_1, window_bounds = array<i64: 1600, 256>}, {pipeline_mode = #tpu.pipeline_mode<synchronous>, transform_indices = @transform_2, window_bounds = array<i64: 1, 256>}, {pipeline_mode = #tpu.pipeline_mode<synchronous>, transform_indices = @transform_3, window_bounds = array<i64: 256, 10>}, {pipeline_mode = #tpu.pipeline_mode<synchronous>, transform_indices = @transform_4, window_bounds = array<i64: 1, 10>}, {transform_indices = @transform_5, window_bounds = array<i64: 512, 10>}]} {
    %get3A = arith.constant 0 : index
    %get3A_0 = arith.constant 0 : index
    %get3A_1 = vector.load %arg1[%get3A, %get3A_0] : memref<512x1600xf32, #tpu.memory_space<vmem>>, vector<512x1600xf32>
    %get3A_2 = arith.constant 0 : index
    %get3A_3 = arith.constant 0 : index
    %get3A_4 = vector.load %arg2[%get3A_2, %get3A_3] : memref<1600x256xf32, #tpu.memory_space<vmem>>, vector<1600x256xf32>
    %dot_general3A = arith.constant dense<0.000000e+00> : vector<512x256xf32>
    %dot_general3A_5 = tpu.matmul %get3A_1, %get3A_4, %dot_general3A {dimension_numbers = #tpu.dot_dimension_numbers<[1], [0], [0], [1], [0, 0, 1, 1], [], []>, transpose_lhs_hint = false} : vector<512x1600xf32>, vector<1600x256xf32>, vector<512x256xf32> -> vector<512x256xf32>
    %get3A_6 = arith.constant 0 : index
    %get3A_7 = arith.constant 0 : index
    %get3A_8 = vector.load %arg3[%get3A_6, %get3A_7] : memref<1x256xf32, #tpu.memory_space<vmem>>, vector<1x256xf32>
    %add3A = vector.broadcast %get3A_8 : vector<1x256xf32> to vector<512x256xf32>
    %add3A_9 = arith.addf %dot_general3A_5, %add3A : vector<512x256xf32>
    %max3A = arith.constant 0.000000e+00 : f32
    %max3A_10 = vector.broadcast %max3A : f32 to vector<512x256xf32>
    %max3A_11 = arith.maximumf %add3A_9, %max3A_10 : vector<512x256xf32>
    %get3A_12 = arith.constant 0 : index
    %get3A_13 = arith.constant 0 : index
    %get3A_14 = vector.load %arg4[%get3A_12, %get3A_13] : memref<256x10xf32, #tpu.memory_space<vmem>>, vector<256x10xf32>
    %dot_general3A_15 = arith.constant dense<0.000000e+00> : vector<512x10xf32>
    %dot_general3A_16 = tpu.matmul %max3A_11, %get3A_14, %dot_general3A_15 {dimension_numbers = #tpu.dot_dimension_numbers<[1], [0], [0], [1], [0, 0, 1, 1], [], []>, transpose_lhs_hint = false} : vector<512x256xf32>, vector<256x10xf32>, vector<512x10xf32> -> vector<512x10xf32>
    %get3A_17 = arith.constant 0 : index
    %get3A_18 = arith.constant 0 : index
    %get3A_19 = vector.load %arg5[%get3A_17, %get3A_18] : memref<1x10xf32, #tpu.memory_space<vmem>>, vector<1x10xf32>
    %add3A_20 = vector.broadcast %get3A_19 : vector<1x10xf32> to vector<512x10xf32>
    %add3A_21 = arith.addf %dot_general3A_16, %add3A_20 : vector<512x10xf32>
    %reduce_max3A = arith.constant dense<0xFF800000> : vector<512xf32>
    %reduce_max3A_22 = vector.multi_reduction <maximumf>, %add3A_21, %reduce_max3A [1] : vector<512x10xf32> to vector<512xf32>
    %broadcast_in_dim3A = vector.shape_cast %reduce_max3A_22 : vector<512xf32> to vector<512x1xf32>
    %sub3A = vector.broadcast %broadcast_in_dim3A : vector<512x1xf32> to vector<512x10xf32>
    %sub3A_23 = arith.subf %add3A_21, %sub3A : vector<512x10xf32>
    %exp3A = math.exp %sub3A_23 : vector<512x10xf32>
    %reduce_sum3A = arith.constant dense<0.000000e+00> : vector<512xf32>
    %reduce_sum3A_24 = vector.multi_reduction <add>, %exp3A, %reduce_sum3A [1] : vector<512x10xf32> to vector<512xf32>
    %broadcast_in_dim3A_25 = vector.shape_cast %reduce_sum3A_24 : vector<512xf32> to vector<512x1xf32>
    %div3A = vector.broadcast %broadcast_in_dim3A_25 : vector<512x1xf32> to vector<512x10xf32>
    %div3A_26 = arith.divf %exp3A, %div3A : vector<512x10xf32>
    %swap3A = arith.constant 0 : index
    %swap3A_27 = arith.constant 0 : index
    %swap3A_28 = vector.load %arg6[%swap3A, %swap3A_27] : memref<512x10xf32, #tpu.memory_space<vmem>>, vector<512x10xf32>
    tpu.vector_store %arg6[%swap3A, %swap3A_27], %div3A_26 {strides = array<i32>} : memref<512x10xf32, #tpu.memory_space<vmem>>, vector<512x10xf32>,
    return
  }
  func.func @transform_0(%arg0: i32) -> (i32, i32) {
    %c0_i32 = arith.constant 0 : i32
    %c0_i32_0 = arith.constant 0 : i32
    return %arg0, %c0_i32 : i32, i32
  }
  func.func @transform_1(%arg0: i32) -> (i32, i32) {
    %c0_i32 = arith.constant 0 : i32
    %c0_i32_0 = arith.constant 0 : i32
    %c0_i32_1 = arith.constant 0 : i32
    return %c0_i32, %c0_i32_0 : i32, i32
  }
  func.func @transform_2(%arg0: i32) -> (i32, i32) {
    %c0_i32 = arith.constant 0 : i32
    %c0_i32_0 = arith.constant 0 : i32
    %c0_i32_1 = arith.constant 0 : i32
    return %c0_i32, %c0_i32_0 : i32, i32
  }
  func.func @transform_3(%arg0: i32) -> (i32, i32) {
    %c0_i32 = arith.constant 0 : i32
    %c0_i32_0 = arith.constant 0 : i32
    %c0_i32_1 = arith.constant 0 : i32
    return %c0_i32, %c0_i32_0 : i32, i32
  }
  func.func @transform_4(%arg0: i32) -> (i32, i32) {
    %c0_i32 = arith.constant 0 : i32
    %c0_i32_0 = arith.constant 0 : i32
    %c0_i32_1 = arith.constant 0 : i32
    return %c0_i32, %c0_i32_0 : i32, i32
  }
  func.func @transform_5(%arg0: i32) -> (i32, i32) {
    %c0_i32 = arith.constant 0 : i32
    %c0_i32_0 = arith.constant 0 : i32
    return %arg0, %c0_i32 : i32, i32
  }
}

</mosaic_0001>

<sc_bundles>
// kernel: kernel.11.cloned.1.call-start
scs
__scs_entry_jumppad:
0x0: {  	(pc) =	sbr.rel $0x88, $3  }
0x1: {  	(tag) =	ssettag $0x0;
	lr =	simm.s32 $0x1  }
0x2: {  	[smem:$0x3F9B] =	sst lr;
	_ =	strace $0xD0000000  }
0x3: {  	_ = 	snop  }
0x4: {  	_ = 	snop  }
0x5: {  	_ = 	snop  }
0x6: {  	_ = 	snop  }
0x7: {  	_ = 	snop  }
__scs_overlays_trampoline_lowered:
0x8: {  	[smem:$0x3FAA] =	sst s0  }
0x9: {  	[smem:$0x3FAB] =	sst s1  }
0xa: {  	[smem:$0x3FAC] =	sst s2  }
0xb: {  	[smem:$0x3FAD] =	sst s3  }
0xc: {  	[smem:$0x3FAE] =	sst s4  }
0xd: {  	[smem:$0x3FAF] =	sst s5  }
0xe: {  	[smem:$0x3FB0] =	sst s6  }
0xf: {  	[smem:$0x3FB1] =	sst s7  }
0x10: {  	[smem:$0x3FB2] =	sst s8  }
0x11: {  	[smem:$0x3FB3] =	sst s9;
	s0 =	simm.s32 @!p0 $0x0  }
0x12: {  	s1 =	sld [smem:$0x3F99];
	s0 =	simm.s32 @p0 $0x1  }
0x13: {  	[smem:$0x3FB4] =	sst s0;
	s0 =	simm.s32 @!p1 $0x0  }
0x14: {  	s2 =	sld [smem:$0x3F98];
	s0 =	simm.s32 @p1 $0x1  }
0x15: {  	[smem:$0x3FB5] =	sst s0;
	s0 =	simm.s32 @!p2 $0x0  }
0x16: {  	s3 =	sld [smem:$0x3FDB];
	s0 =	simm.s32 @p2 $0x1  }
0x17: {  	s4 =	simm.s32 $0x1BF5;
	[smem:$0x3FB7] =	sst s0  }
0x18: {  	s0 =	sld [smem:$0x3F9A];
	_ =	swait.ge [sflag:s4], $0x0  }
0x19: {  	s7 =	sld [smem:$0x3F9B]  }
0x1a: {  	s8 =	sadd.s32 $0xFFFFE003, lr  }
0x1b: {  	s9 =	sadd.s32 $0xFFFFFEF7, lr;
	s5 =	simm.s32 $0xFFFFFFFF;
	p2 =	slt.u32 s8, $0xFFFFF086  }
0x1c: {  	p1 =	slt.u32 s9, $0xF7A;
	s5 =	simm.s32 @!p2 $0x0  }
0x1d: {  	s5 =	simm.s32 @p1 $0x1;
	p0 =	seq.s32 s7, s2  }
0x1e: {  	s7 =	smul.u32 @!p0 $0xF7A, s2;
	p2 =	seq.s32 @!p0 s5, $0x0  }
0x1f: {  	s9 =	smul.u32 $0xF7A, s1;
	s8 =	simm.s32 @!p0 $0x1BF5;
	p2 =	por !p2, p0  }
0x20: {  	[sflag:s8] =	ssyncset.s32 @!p0 $0xFFFFF086;
	s6 =	sadd.s32 @!p0 s3, s7;
	s7 =	simm.s32 @!p0 $0x108  }
0x21: {  	s3 =	sadd.s32 s3, s9;
	s6 =	sadd.s32 @!p0 $0x88, s6;
	s7 =	simm.s32 @p2 $0x1082  }
0x22: {  	[simem:s7], [sflag:s8] =	dma.local @!p0 [hbm:s6], $0xF7A  }
0x23: {  	s9 =	sor.u32 $0xD0000000, s2;
	s6 =	simm.s32 $0x108;
	_ =	swait.ge @!p0 [sflag:s8], $0x0  }
0x24: {  	s3 =	sadd.s32 $0x88, s3;
	s6 =	simm.s32 @!p1 $0x1082;
	[sflag:s4] =	ssyncset.s32 $0xFFFFF086  }
0x25: {  	[simem:s6], [sflag:s4] =	dma.local [hbm:s3], $0xF7A  }
0x26: {  	[smem:$0x3F9B] =	sst s1;
	(tag) =	ssettag s2;
	_ =	strace s9  }
0x27: {  	s1 =	sld [smem:$0x3FAB]  }
0x28: {  	s2 =	sld [smem:$0x3FAC]  }
0x29: {  	s4 =	sld [smem:$0x3FAE]  }
0x2a: {  	p0 =	seq.s32 s5, $0x0;
	s5 =	sld [smem:$0x3FAF]  }
0x2b: {  	s6 =	sld [smem:$0x3FB0]  }
0x2c: {  	s7 =	sld [smem:$0x3FB1]  }
0x2d: {  	s3 =	simm.s32 $0x108;
	s8 =	sld [smem:$0x3FB2]  }
0x2e: {  	s3 =	simm.s32 @!p0 $0x1082;
	s9 =	sld [smem:$0x3FB3]  }
0x2f: {  	lr =	sadd.s32 s0, s3;
	s0 =	sld [smem:$0x3FAA]  }
0x30: {  	s3 =	sld [smem:$0x3FAD]  }
0x31: {  	[smem:$0x3FB6] =	sst s10  }
0x32: {  	s10 =	sld [smem:$0x3FB4];
	_ =	sdelay $0x3  }
0x33: {  	p0 =	seq.s32 s10, $0x1;
	s10 =	sld [smem:$0x3FB6];
	_ =	sdelay $0x3  }
0x34: {  	[smem:$0x3FB6] =	sst s10  }
0x35: {  	s10 =	sld [smem:$0x3FB5];
	_ =	sdelay $0x3  }
0x36: {  	p1 =	seq.s32 s10, $0x1;
	s10 =	sld [smem:$0x3FB6];
	_ =	sdelay $0x3  }
0x37: {  	[smem:$0x3FB6] =	sst s10  }
0x38: {  	s10 =	sld [smem:$0x3FB7]  }
0x39: {  	_ = 	snop;
	(pc) =	sbr.ind lr, $3  }
0x3a: {  	_ = 	snop  }
0x3b: {  	_ = 	snop  }
0x3c: {  	p2 =	seq.s32 s10, $0x1;
	s10 =	sld [smem:$0x3FB6]  }
0x3d: {  	_ =	shalt  }
0x3e: {  	_ =	shalt  }
0x3f: {  	_ =	shalt  }
0x40: {  	_ =	shalt  }
0x41: {  	_ =	shalt  }
0x42: {  	_ =	shalt  }
0x43: {  	_ =	shalt  }
0x44: {  	_ =	shalt  }
0x45: {  	_ =	shalt  }
0x46: {  	_ =	shalt  }
0x47: {  	_ =	shalt  }
0x48: {  	_ =	shalt  }
0x49: {  	_ =	shalt  }
0x4a: {  	_ =	shalt  }
0x4b: {  	_ =	shalt  }
0x4c: {  	_ =	shalt  }
0x4d: {  	_ =	shalt  }
0x4e: {  	_ =	shalt  }
0x4f: {  	_ =	shalt  }
0x50: {  	_ =	shalt  }
0x51: {  	_ =	shalt  }
0x52: {  	_ =	shalt  }
0x53: {  	_ =	shalt  }
0x54: {  	_ =	shalt  }
0x55: {  	_ =	shalt  }
0x56: {  	_ =	shalt  }
0x57: {  	_ =	shalt  }
0x58: {  	_ =	shalt  }
0x59: {  	_ =	shalt  }
0x5a: {  	_ =	shalt  }
0x5b: {  	_ =	shalt  }
0x5c: {  	_ =	shalt  }
0x5d: {  	_ =	shalt  }
0x5e: {  	_ =	shalt  }
0x5f: {  	_ =	shalt  }
0x60: {  	_ =	shalt  }
0x61: {  	_ =	shalt  }
0x62: {  	_ =	shalt  }
0x63: {  	_ =	shalt  }
0x64: {  	_ =	shalt  }
0x65: {  	_ =	shalt  }
0x66: {  	_ =	shalt  }
0x67: {  	_ =	shalt  }
0x68: {  	_ =	shalt  }
0x69: {  	_ =	shalt  }
0x6a: {  	_ =	shalt  }
0x6b: {  	_ =	shalt  }
0x6c: {  	_ =	shalt  }
0x6d: {  	_ =	shalt  }
0x6e: {  	_ =	shalt  }
0x6f: {  	_ =	shalt  }
0x70: {  	_ =	shalt  }
0x71: {  	_ =	shalt  }
0x72: {  	_ =	shalt  }
0x73: {  	_ =	shalt  }
0x74: {  	_ =	shalt  }
0x75: {  	_ =	shalt  }
0x76: {  	_ =	shalt  }
0x77: {  	_ =	shalt  }
0x78: {  	_ =	shalt  }
0x79: {  	_ =	shalt  }
0x7a: {  	_ =	shalt  }
0x7b: {  	_ =	shalt  }
0x7c: {  	_ =	shalt  }
0x7d: {  	_ =	shalt  }
0x7e: {  	_ =	shalt  }
0x7f: {  	_ =	shalt  }
0x80: {  	_ =	shalt  }
0x81: {  	_ =	shalt  }
0x82: {  	_ =	shalt  }
0x83: {  	_ =	shalt  }
0x84: {  	_ =	shalt  }
0x85: {  	_ =	shalt  }
0x86: {  	_ =	shalt  }
0x87: {  	_ =	shalt  }
.Lfunc_end0:
.L_simem_size_0:
called_computation_lowered:
.L_overlay_start_0:
0x88: {  	s2 =	sld [smem:$0x3FD9]  }
0x89: {  	s3 =	sld [smem:$0x3FFE];
	_ =	sdelay $0x1  }
0x8a: {  	s1 =	srdreg.scid  }
0x8b: {  	s0 =	sand.u32 $0x1, s1  }
0x8c: {  	s16 =	sshll.u32 s0, $0xA;
	s2 =	sadd.s32 s3, s2  }
0x8d: {  	s2 =	sadd.s32 s2, s16  }
0x8e: {  	[smem:$0x3FC2] =	sst s2  }
0x8f: {  	_ = 	snop  }
0x90: {  	(tm) =	ssettm $0x1  }
0x91: {  	s17 =	sld [smem:$0x3FFB];
	_ =	sdelay $0x3  }
0x92: {  	_ =	strace s17  }
0x93: {  	s2 =	sld [smem:$0x3FFC];
	_ =	sdelay $0x3  }
0x94: {  	_ =	strace s2  }
0x95: {  	s2 =	sld [smem:$0x3FFD];
	_ =	sdelay $0x3  }
0x96: {  	_ =	strace s2  }
0x97: {  	_ =	strace $0x8FFFFFFF  }
0x98: {  	s18 =	sld [smem:$0x3FDB];
	_ =	sdelay $0x1  }
0x99: {  	s19 =	simm.s32 $_scs_section_size  }
0x9a: {  	s4 =	simm.s32 $_size__tile_overlayer_lowered;
	s5 =	simm.s32 $_tile_overlayer_lowered  }
0x9b: {  	s22 =	simm.s32 $0x1BFF;
	s21 =	sshll.u32 s5, $0x1;
	s2 =	sadd.s32 s19, s18  }
0x9c: {  	s6 =	simm.s32 $0x0;
	s20 =	sshll.u32 s4, $0x1;
	s4 =	sadd.s32 s21, s2  }
0x9d: {  	[timem:s6], [sflag:s22] =	dma.local [hbm:s4], s20  }
0x9e: {  	_ =	swait.ge [sflag:s22], s20  }
0x9f: {  	s3 =	ssub.s32 $0x0, s20;
	[sflag:s22] =	ssyncset.done $0x0  }
0xa0: {  	[sflag:s22] =	ssyncadd.s32 s3;
	_ =	sdelay $0x1  }
0xa1: {  	s23 =	simm.s32 $0x1B8B  }
0xa2: {  	_ =	swait.ge [sflag:s23], $0x1  }
0xa3: {  	[sflag:s23] =	ssyncset.done $0x0  }
0xa4: {  	s25 =	simm.s32 $0x1B8E;
	s24 =	sld [smem:$0x3FFE];
	[sflag:s23] =	ssyncadd.s32 $0xFFFFFFFF  }
0xa5: {  	s26 =	simm.s32 $execute0_lowered;
	[smem:$0x3FD2] =	sst s25  }
0xa6: {  	s4 =	sshll.u32 s26, $0x1;
	_ =	strace $0x80000046;
	[dreg:$0x1] =	wrdreg $0xFFFFFFFF  }
0xa7: {  	s28 =	simm.s32 $_size_execute0_lowered;
	s2 =	sadd.s32 s2, s4;
	[dreg:$0x0] =	wrdreg $0x0  }
0xa8: {  	s4 =	sshll.u32 s28, $0x1;
	[dreg:$0x2] =	wrdreg s2  }
0xa9: {  	[dreg:$0x3] =	wrdreg s4  }
0xaa: {  	[dreg:$0x4] =	wrdreg $0xC0  }
0xab: {  	_ =	task [dreg:s6], $0x5FFFF  }
0xac: {  	[dreg:$0x1] =	wrdreg $0xFFFFFFFF  }
0xad: {  	[dreg:$0x0] =	wrdreg $0x60  }
0xae: {  	[dreg:$0x2] =	wrdreg s24  }
0xaf: {  	[dreg:$0x3] =	wrdreg $0x9  }
0xb0: {  	_ =	task.clear_ibuf [dreg:s6], $0x4FFFF;
	_ =	strace $0x90000046  }
0xb1: {  	s29 =	simm.s32 $0x9;
	_ =	strace $0x80000048  }
0xb2: {  	_ =	swait.ge [sflag:s29], $0x1  }
0xb3: {  	[sflag:s29] =	ssyncadd.s32 $0xFFFFFFFF  }
0xb4: {  	_ =	strace $0x90000048  }
0xb5: {  	_ =	sfence  }
0xb6: {  	s30 =	sld [smem:$0x0];
	_ =	sdelay $0x2  }
0xb7: {  	s31 =	sshll.u32 s1, $0xD;
	s1 =	sshrl.u32 s1, $0x2  }
0xb8: {  	s3 =	sand.u32 $0x4000, s31;
	s1 =	sadd.s32 s1, s30  }
0xb9: {  	s0 =	sor.u32 s3, s0;
	s1 =	sshll.u32 s1, $0x11  }
0xba: {  	s0 =	sor.u32 s1, s0  }
0xbb: {  	s0 =	sadd.s32 $0x8F2B, s0  }
0xbc: {  	[sflag:s0] =	ssyncadd.remote.s32 $0x1  }
0xbd: {  	_ =	sfence.sel $0xFFFF  }
0xbe: {  	[dreg:$0x0] =	wrdreg $0xFFFFFFFF;
	(pc) =	sbr.abs _section_cstart, $3  }
0xbf: {  	[dreg:$0x1] =	wrdreg $0xFFFFFFFF  }
0xc0: {  	_ =	task.clear_ibuf [dreg:s6], $0x2FFFF;
	_ =	strace $0x9FFFFFFF  }
0xc1: {  	(tm) =	ssettm $0x7FFFFFFF  }
tec
execute0_lowered:
.L_overlay_start_1:
0x0: {  	(tag) =	ssettag $0x1  }
0x1: {  	s1 =	srdreg.scid;
	s0 =	stileid.u32  }
0x2: {  	s13 =	sand.u32 $0x1, s1;
	s29 =	sshll.u32 s0, $0x1  }
0x3: {  	s11 =	sor.u32 s13, s29  }
0x4: {  	s5 =	smul.u32 $0xC80, s11  }
0x5: {  	s12 =	rddreg [dreg:$0x0];
	s2 =	simm.s32 $0x0;
	s4 =	simm.s32 $0x5  }
0x6: {  	[smem:$0x7FF] =	sst s2;
	s8 =	sadd.s32 $0x1C00, s12;
	s3 =	sshrl.u32 s5, $0x3  }
0x7: {  	s1 =	rddreg [dreg:$0x1];
	_ =	strace $0x80000047;
	s3 =	sadd.s32 s8, s3  }
0x8: {  	[tilespmem:s2], [sflag:$0x5] =	stream.linear.gather [hbm4b:s3+s2], $0x640, $0x38;
	[tilespmem:$0x19C80] =	vst v63  }
0x9: {  	s6 =	simm.s32 $0x640;
	_ =	swait.ge [sflag:s4], $0x640  }
0xa: {  	s7 =	simm.s32 $0xC80;
	s14 =	sadd.s32 $0x640, s5;
	[sflag:s4] =	ssyncset.done $0x0  }
0xb: {  	s5 =	sadd.s32 $0x4E00, s12;
	s9 =	sshrl.u32 s14, $0x3;
	[sflag:s4] =	ssyncadd.s32 $0xFFFFF9C0  }
0xc: {  	[tilespmem:s7], [sflag:$0x1] =	stream.indirect.gather [hbm4b:s5+s6], $0x20, s2, s6, $0xb8;
	[tilespmem:$0x19C80] =	vst v63  }
0xd: {  	s8 =	sadd.s32 s8, s9  }
0xe: {  	[tilespmem:s6], [sflag:$0x5] =	stream.linear.gather [hbm4b:s8+s2], $0x640, $0x38;
	[tilespmem:$0x19C80] =	vst v63  }
0xf: {  	_ =	swait.ge [sflag:s4], $0x640  }
0x10: {  	s10 =	simm.s32 $0x1;
	[sflag:s4] =	ssyncset.done $0x0  }
0x11: {  	s11 =	smul.u32 $0x3200, s11;
	s9 =	simm.s32 $0xD480;
	[sflag:s4] =	ssyncadd.s32 $0xFFFFF9C0  }
0x12: {  	[tilespmem:s9], [sflag:$0x2] =	stream.indirect.gather [hbm4b:s5+s6], $0x20, s6, s6, $0xb8;
	[tilespmem:$0x19C80] =	vst v63  }
0x13: {  	s15 =	sadd.s32 $0x6E00, s12;
	s16 =	ssub.s32 $0x2, s13;
	_ =	swait.ge [sflag:s10], $0xC800  }
0x14: {  	s31 =	sshrl.u32 s16, $0x1;
	s11 =	sadd.s32 s15, s11;
	[sflag:s10] =	ssyncset.done $0x0  }
0x15: {  	s12 =	simm.s32 $0x2;
	s30 =	sshll.u32 s14, $0x2;
	[sflag:s10] =	ssyncadd.s32 $0xFFFF3800  }
0x16: {  	[hbm4b:s11+s2] =	stream.linear.scatter [tilespmem:s7], [sflag:$0x3], $0xC800, $0x38;
	[tilespmem:$0x19C80] =	vst v63  }
0x17: {  	s13 =	sadd.s32 s15, s30;
	s15 =	ssub.s32 s16, s31;
	_ =	swait.ge [sflag:s12], $0xC800  }
0x18: {  	s16 =	smax.u32 s15, $0x1;
	[sflag:s12] =	ssyncset.done $0x0  }
0x19: {  	s14 =	simm.s32 $0x3;
	p0 =	sne.s32 s16, $0x1;
	[sflag:s12] =	ssyncadd.s32 $0xFFFF3800  }
0x1a: {  	[hbm4b:s13+s2] =	stream.linear.scatter [tilespmem:s9], [sflag:$0x4], $0xC800, $0x38;
	[tilespmem:$0x19C80] =	vst v63  }
.Ltmp0:
0x1b: {  	_ =	swait.ge [sflag:s14], $0xC800;
	(pc) =	sbr.rel @!p0 .LBB2_2-.Ltmp0, $4  }
0x1c: {  	[sflag:s14] =	ssyncset.done $0x0  }
0x1d: {  	s15 =	simm.s32 $0x4;
	[sflag:s14] =	ssyncadd.s32 $0xFFFF3800  }
0x1e: {  	_ =	swait.ge [sflag:s15], $0xC800  }
0x1f: {  	s16 =	sadd.s32 $0xFFFFFFFF, s16;
	[sflag:s15] =	ssyncset.done $0x0  }
.LBB2_1:
0x20: {  	p0 =	sne.s32 s16, $0x1;
	s16 =	sadd.s32 $0xFFFFFFFF, s16;
	[sflag:s15] =	ssyncadd.s32 $0xFFFF3800  }
0x21: {  	[tilespmem:s2], [sflag:$0x5] =	stream.linear.gather [hbm4b:s3+s2], $0x640, $0x38;
	[tilespmem:$0x19C80] =	vst v63  }
0x22: {  	_ =	swait.ge [sflag:s4], $0x640  }
0x23: {  	[sflag:s4] =	ssyncset.done $0x0  }
0x24: {  	[sflag:s4] =	ssyncadd.s32 $0xFFFFF9C0  }
0x25: {  	[tilespmem:s7], [sflag:$0x1] =	stream.indirect.gather [hbm4b:s5+s6], $0x20, s2, s6, $0xb8;
	[tilespmem:$0x19C80] =	vst v63  }
0x26: {  	_ = 	snop  }
0x27: {  	[tilespmem:s6], [sflag:$0x5] =	stream.linear.gather [hbm4b:s8+s2], $0x640, $0x38;
	[tilespmem:$0x19C80] =	vst v63  }
0x28: {  	_ =	swait.ge [sflag:s4], $0x640  }
0x29: {  	[sflag:s4] =	ssyncset.done $0x0  }
0x2a: {  	[sflag:s4] =	ssyncadd.s32 $0xFFFFF9C0  }
0x2b: {  	[tilespmem:s9], [sflag:$0x2] =	stream.indirect.gather [hbm4b:s5+s6], $0x20, s6, s6, $0xb8;
	[tilespmem:$0x19C80] =	vst v63  }
0x2c: {  	_ =	swait.ge [sflag:s10], $0xC800  }
0x2d: {  	[sflag:s10] =	ssyncset.done $0x0  }
0x2e: {  	[sflag:s10] =	ssyncadd.s32 $0xFFFF3800  }
0x2f: {  	[hbm4b:s11+s2] =	stream.linear.scatter [tilespmem:s7], [sflag:$0x3], $0xC800, $0x38;
	[tilespmem:$0x19C80] =	vst v63  }
0x30: {  	_ =	swait.ge [sflag:s12], $0xC800  }
0x31: {  	[sflag:s12] =	ssyncset.done $0x0  }
0x32: {  	[sflag:s12] =	ssyncadd.s32 $0xFFFF3800  }
0x33: {  	[hbm4b:s13+s2] =	stream.linear.scatter [tilespmem:s9], [sflag:$0x4], $0xC800, $0x38;
	[tilespmem:$0x19C80] =	vst v63  }
.Ltmp1:
0x34: {  	_ =	swait.ge [sflag:s14], $0xC800;
	(pc) =	sbr.rel @p0 .LBB2_1-.Ltmp1, $4  }
0x35: {  	[sflag:s14] =	ssyncset.done $0x0  }
0x36: {  	[sflag:s14] =	ssyncadd.s32 $0xFFFF3800  }
0x37: {  	_ =	swait.ge [sflag:s15], $0xC800  }
0x38: {  	[sflag:s15] =	ssyncset.done $0x0  }
.LBB2_2:
0x39: {  	[sflag:s15] =	ssyncadd.s32 $0xFFFF3800  }
0x3a: {  	_ =	sfence.sel $0x180000  }
0x3b: {  	[bflag:$0x0] =	sbarrier.arrive $0xFFFF  }
0x3c: {  	p0 =	sne.s32 s0, $0x0;
	_ =	strace $0x90000047  }
0x3d: {  	s0 =	sadd.s32 @!p0 $0x100000, s1;
	[bflag:$0x2] =	sbarrier.arrive $0xFFFF  }
0x3e: {  	[sflag:s0] =	ssyncadd.tile.s32 @!p0 $0x1;
	_ =	shalt  }
.Lfunc_end2:
_tile_overlayer_lowered:
.L_overlay_start_2:
0x3f: {  	(tag) =	ssettag $0x2  }
0x40: {  	s0 =	rddreg [dreg:$0x0];
	s2 =	stileid.u32  }
0x41: {  	s1 =	rddreg [dreg:$0x1];
	p0 =	sne.s32 s2, $0x0  }
0x42: {  	s3 =	rddreg [dreg:$0x2];
	[bflag:$0x3] =	sbarrier.arrive $0xFFFF;
	s2 =	simm.s32 @!p0 $0x1C05  }
0x43: {  	[timem:s3], [sflag:s2] =	dma.local @!p0 [hbm:s0], s1  }
0x44: {  	s0 =	simm.s32 @!p0 $0x5  }
0x45: {  	_ =	swait.ge @!p0 [sflag:s0], s1  }
0x46: {  	s1 =	ssub.s32 @!p0 $0x0, s1;
	[sflag:s0] =	ssyncset.done @!p0 $0x0  }
0x47: {  	[sflag:s0] =	ssyncadd.s32 @!p0 s1  }
0x48: {  	[bflag:$0x3] =	sbarrier.arrive $0xFFFF  }
0x49: {  	_ =	shalt  }

// kernel: kernel.14.cloned.1.call-start
scs
__scs_entry_jumppad:
0x0: {  	(pc) =	sbr.rel $0x88, $3  }
0x1: {  	(tag) =	ssettag $0x0;
	lr =	simm.s32 $0x1  }
0x2: {  	[smem:$0x3F9B] =	sst lr;
	_ =	strace $0xD0000000  }
0x3: {  	_ = 	snop  }
0x4: {  	_ = 	snop  }
0x5: {  	_ = 	snop  }
0x6: {  	_ = 	snop  }
0x7: {  	_ = 	snop  }
__scs_overlays_trampoline_lowered:
0x8: {  	[smem:$0x3FAA] =	sst s0  }
0x9: {  	[smem:$0x3FAB] =	sst s1  }
0xa: {  	[smem:$0x3FAC] =	sst s2  }
0xb: {  	[smem:$0x3FAD] =	sst s3  }
0xc: {  	[smem:$0x3FAE] =	sst s4  }
0xd: {  	[smem:$0x3FAF] =	sst s5  }
0xe: {  	[smem:$0x3FB0] =	sst s6  }
0xf: {  	[smem:$0x3FB1] =	sst s7  }
0x10: {  	[smem:$0x3FB2] =	sst s8  }
0x11: {  	[smem:$0x3FB3] =	sst s9;
	s0 =	simm.s32 @!p0 $0x0  }
0x12: {  	s1 =	sld [smem:$0x3F99];
	s0 =	simm.s32 @p0 $0x1  }
0x13: {  	[smem:$0x3FB4] =	sst s0;
	s0 =	simm.s32 @!p1 $0x0  }
0x14: {  	s2 =	sld [smem:$0x3F98];
	s0 =	simm.s32 @p1 $0x1  }
0x15: {  	[smem:$0x3FB5] =	sst s0;
	s0 =	simm.s32 @!p2 $0x0  }
0x16: {  	s3 =	sld [smem:$0x3FDB];
	s0 =	simm.s32 @p2 $0x1  }
0x17: {  	s4 =	simm.s32 $0x1BF5;
	[smem:$0x3FB7] =	sst s0  }
0x18: {  	s0 =	sld [smem:$0x3F9A];
	_ =	swait.ge [sflag:s4], $0x0  }
0x19: {  	s7 =	sld [smem:$0x3F9B]  }
0x1a: {  	s8 =	sadd.s32 $0xFFFFE003, lr  }
0x1b: {  	s9 =	sadd.s32 $0xFFFFFEF7, lr;
	s5 =	simm.s32 $0xFFFFFFFF;
	p2 =	slt.u32 s8, $0xFFFFF086  }
0x1c: {  	p1 =	slt.u32 s9, $0xF7A;
	s5 =	simm.s32 @!p2 $0x0  }
0x1d: {  	s5 =	simm.s32 @p1 $0x1;
	p0 =	seq.s32 s7, s2  }
0x1e: {  	s7 =	smul.u32 @!p0 $0xF7A, s2;
	p2 =	seq.s32 @!p0 s5, $0x0  }
0x1f: {  	s9 =	smul.u32 $0xF7A, s1;
	s8 =	simm.s32 @!p0 $0x1BF5;
	p2 =	por !p2, p0  }
0x20: {  	[sflag:s8] =	ssyncset.s32 @!p0 $0xFFFFF086;
	s6 =	sadd.s32 @!p0 s3, s7;
	s7 =	simm.s32 @!p0 $0x108  }
0x21: {  	s3 =	sadd.s32 s3, s9;
	s6 =	sadd.s32 @!p0 $0x88, s6;
	s7 =	simm.s32 @p2 $0x1082  }
0x22: {  	[simem:s7], [sflag:s8] =	dma.local @!p0 [hbm:s6], $0xF7A  }
0x23: {  	s9 =	sor.u32 $0xD0000000, s2;
	s6 =	simm.s32 $0x108;
	_ =	swait.ge @!p0 [sflag:s8], $0x0  }
0x24: {  	s3 =	sadd.s32 $0x88, s3;
	s6 =	simm.s32 @!p1 $0x1082;
	[sflag:s4] =	ssyncset.s32 $0xFFFFF086  }
0x25: {  	[simem:s6], [sflag:s4] =	dma.local [hbm:s3], $0xF7A  }
0x26: {  	[smem:$0x3F9B] =	sst s1;
	(tag) =	ssettag s2;
	_ =	strace s9  }
0x27: {  	s1 =	sld [smem:$0x3FAB]  }
0x28: {  	s2 =	sld [smem:$0x3FAC]  }
0x29: {  	s4 =	sld [smem:$0x3FAE]  }
0x2a: {  	p0 =	seq.s32 s5, $0x0;
	s5 =	sld [smem:$0x3FAF]  }
0x2b: {  	s6 =	sld [smem:$0x3FB0]  }
0x2c: {  	s7 =	sld [smem:$0x3FB1]  }
0x2d: {  	s3 =	simm.s32 $0x108;
	s8 =	sld [smem:$0x3FB2]  }
0x2e: {  	s3 =	simm.s32 @!p0 $0x1082;
	s9 =	sld [smem:$0x3FB3]  }
0x2f: {  	lr =	sadd.s32 s0, s3;
	s0 =	sld [smem:$0x3FAA]  }
0x30: {  	s3 =	sld [smem:$0x3FAD]  }
0x31: {  	[smem:$0x3FB6] =	sst s10  }
0x32: {  	s10 =	sld [smem:$0x3FB4];
	_ =	sdelay $0x3  }
0x33: {  	p0 =	seq.s32 s10, $0x1;
	s10 =	sld [smem:$0x3FB6];
	_ =	sdelay $0x3  }
0x34: {  	[smem:$0x3FB6] =	sst s10  }
0x35: {  	s10 =	sld [smem:$0x3FB5];
	_ =	sdelay $0x3  }
0x36: {  	p1 =	seq.s32 s10, $0x1;
	s10 =	sld [smem:$0x3FB6];
	_ =	sdelay $0x3  }
0x37: {  	[smem:$0x3FB6] =	sst s10  }
0x38: {  	s10 =	sld [smem:$0x3FB7]  }
0x39: {  	_ = 	snop;
	(pc) =	sbr.ind lr, $3  }
0x3a: {  	_ = 	snop  }
0x3b: {  	_ = 	snop  }
0x3c: {  	p2 =	seq.s32 s10, $0x1;
	s10 =	sld [smem:$0x3FB6]  }
0x3d: {  	_ =	shalt  }
0x3e: {  	_ =	shalt  }
0x3f: {  	_ =	shalt  }
0x40: {  	_ =	shalt  }
0x41: {  	_ =	shalt  }
0x42: {  	_ =	shalt  }
0x43: {  	_ =	shalt  }
0x44: {  	_ =	shalt  }
0x45: {  	_ =	shalt  }
0x46: {  	_ =	shalt  }
0x47: {  	_ =	shalt  }
0x48: {  	_ =	shalt  }
0x49: {  	_ =	shalt  }
0x4a: {  	_ =	shalt  }
0x4b: {  	_ =	shalt  }
0x4c: {  	_ =	shalt  }
0x4d: {  	_ =	shalt  }
0x4e: {  	_ =	shalt  }
0x4f: {  	_ =	shalt  }
0x50: {  	_ =	shalt  }
0x51: {  	_ =	shalt  }
0x52: {  	_ =	shalt  }
0x53: {  	_ =	shalt  }
0x54: {  	_ =	shalt  }
0x55: {  	_ =	shalt  }
0x56: {  	_ =	shalt  }
0x57: {  	_ =	shalt  }
0x58: {  	_ =	shalt  }
0x59: {  	_ =	shalt  }
0x5a: {  	_ =	shalt  }
0x5b: {  	_ =	shalt  }
0x5c: {  	_ =	shalt  }
0x5d: {  	_ =	shalt  }
0x5e: {  	_ =	shalt  }
0x5f: {  	_ =	shalt  }
0x60: {  	_ =	shalt  }
0x61: {  	_ =	shalt  }
0x62: {  	_ =	shalt  }
0x63: {  	_ =	shalt  }
0x64: {  	_ =	shalt  }
0x65: {  	_ =	shalt  }
0x66: {  	_ =	shalt  }
0x67: {  	_ =	shalt  }
0x68: {  	_ =	shalt  }
0x69: {  	_ =	shalt  }
0x6a: {  	_ =	shalt  }
0x6b: {  	_ =	shalt  }
0x6c: {  	_ =	shalt  }
0x6d: {  	_ =	shalt  }
0x6e: {  	_ =	shalt  }
0x6f: {  	_ =	shalt  }
0x70: {  	_ =	shalt  }
0x71: {  	_ =	shalt  }
0x72: {  	_ =	shalt  }
0x73: {  	_ =	shalt  }
0x74: {  	_ =	shalt  }
0x75: {  	_ =	shalt  }
0x76: {  	_ =	shalt  }
0x77: {  	_ =	shalt  }
0x78: {  	_ =	shalt  }
0x79: {  	_ =	shalt  }
0x7a: {  	_ =	shalt  }
0x7b: {  	_ =	shalt  }
0x7c: {  	_ =	shalt  }
0x7d: {  	_ =	shalt  }
0x7e: {  	_ =	shalt  }
0x7f: {  	_ =	shalt  }
0x80: {  	_ =	shalt  }
0x81: {  	_ =	shalt  }
0x82: {  	_ =	shalt  }
0x83: {  	_ =	shalt  }
0x84: {  	_ =	shalt  }
0x85: {  	_ =	shalt  }
0x86: {  	_ =	shalt  }
0x87: {  	_ =	shalt  }
.Lfunc_end0:
.L_simem_size_0:
called_computation.1_lowered:
.L_overlay_start_0:
0x88: {  	s2 =	sld [smem:$0x3FD9]  }
0x89: {  	s3 =	sld [smem:$0x3FFE];
	_ =	sdelay $0x1  }
0x8a: {  	s1 =	srdreg.scid  }
0x8b: {  	s0 =	sand.u32 $0x1, s1  }
0x8c: {  	s17 =	sshll.u32 s0, $0xA;
	s2 =	sadd.s32 s3, s2  }
0x8d: {  	s2 =	sadd.s32 s2, s17  }
0x8e: {  	[smem:$0x3FC2] =	sst s2  }
0x8f: {  	_ = 	snop  }
0x90: {  	(tm) =	ssettm $0x1  }
0x91: {  	s18 =	sld [smem:$0x3FFB];
	_ =	sdelay $0x3  }
0x92: {  	_ =	strace s18  }
0x93: {  	s2 =	sld [smem:$0x3FFC];
	_ =	sdelay $0x3  }
0x94: {  	_ =	strace s2  }
0x95: {  	s2 =	sld [smem:$0x3FFD];
	_ =	sdelay $0x3  }
0x96: {  	_ =	strace s2  }
0x97: {  	_ =	strace $0x8FFFFFFF  }
0x98: {  	s19 =	sld [smem:$0x3FDB];
	_ =	sdelay $0x1  }
0x99: {  	s20 =	simm.s32 $_scs_section_size  }
0x9a: {  	s4 =	simm.s32 $_size__tile_overlayer_lowered;
	s5 =	simm.s32 $_tile_overlayer_lowered  }
0x9b: {  	s6 =	simm.s32 $0x1BFF;
	s21 =	sshll.u32 s5, $0x1;
	s3 =	sadd.s32 s20, s19  }
0x9c: {  	s22 =	simm.s32 $0x0;
	s4 =	sshll.u32 s4, $0x1;
	s5 =	sadd.s32 s21, s3  }
0x9d: {  	[timem:s22], [sflag:s6] =	dma.local [hbm:s5], s4  }
0x9e: {  	_ =	swait.ge [sflag:s6], s4  }
0x9f: {  	s4 =	ssub.s32 $0x0, s4;
	[sflag:s6] =	ssyncset.done $0x0  }
0xa0: {  	[sflag:s6] =	ssyncadd.s32 s4;
	_ =	sdelay $0x1  }
0xa1: {  	s23 =	simm.s32 $0x1B8B  }
0xa2: {  	_ =	swait.ge [sflag:s23], $0x1  }
0xa3: {  	[sflag:s23] =	ssyncset.done $0x0  }
0xa4: {  	[sflag:s23] =	ssyncadd.s32 $0xFFFFFFFF  }
0xa5: {  	s4 =	sld [smem:$0x0]  }
0xa6: {  	s5 =	sand.u32 $0xFFFFFFFE, s1  }
0xa7: {  	p0 =	sne.s32 s1, s5  }
0xa8: {  	s5 =	sshll.u32 @p0 s5, $0xE  }
0xa9: {  	s5 =	sadd.s32 @p0 $0x11B8D, s5;
	s6 =	sshll.u32 @p0 s4, $0x11  }
0xaa: {  	s5 =	sor.u32 @p0 s6, s5  }
0xab: {  	[sflag:s5] =	ssyncadd.remote.s32 @p0 $0x1;
	_ =	sdelay $0x1  }
0xac: {  	s5 =	simm.s32 @p0 $0x1B8D  }
0xad: {  	_ =	swait.eq @p0 [sflag:s5], $0x1  }
0xae: {  	[sflag:s5] =	ssyncadd.s32 @p0 $0xFFFFFFFF  }
0xaf: {  	s6 =	sshll.u32 @!p0 s1, $0xE  }
0xb0: {  	s6 =	sor.u32 @!p0 $0x4000, s6;
	s5 =	simm.s32 @!p0 $0x1B8D  }
0xb1: {  	s4 =	sshll.u32 @!p0 s4, $0x11;
	s6 =	sadd.s32 @!p0 $0x11B8D, s6;
	_ =	swait.eq @!p0 [sflag:s5], $0x1  }
0xb2: {  	s4 =	sor.u32 @!p0 s4, s6;
	[sflag:s5] =	ssyncadd.s32 @!p0 $0xFFFFFFFF  }
0xb3: {  	s25 =	simm.s32 $0x1B8E;
	s24 =	sld [smem:$0x3FFE];
	[sflag:s4] =	ssyncadd.remote.s32 @!p0 $0x1  }
0xb4: {  	s26 =	simm.s32 $execute0_lowered;
	[smem:$0x3FD2] =	sst s25  }
0xb5: {  	s5 =	sshll.u32 s26, $0x1;
	_ =	strace $0x80000049;
	[dreg:$0x1] =	wrdreg $0xFFFFFFFF  }
0xb6: {  	s28 =	simm.s32 $_size_execute0_lowered;
	s3 =	sadd.s32 s3, s5;
	[dreg:$0x0] =	wrdreg $0x0  }
0xb7: {  	s5 =	sshll.u32 s28, $0x1;
	[dreg:$0x2] =	wrdreg s3  }
0xb8: {  	[dreg:$0x3] =	wrdreg s5  }
0xb9: {  	[dreg:$0x4] =	wrdreg $0xC0  }
0xba: {  	_ =	task [dreg:s22], $0x5FFFF  }
0xbb: {  	[dreg:$0x1] =	wrdreg $0xFFFFFFFF  }
0xbc: {  	[dreg:$0x0] =	wrdreg $0x60  }
0xbd: {  	[dreg:$0x2] =	wrdreg s24  }
0xbe: {  	[dreg:$0x3] =	wrdreg $0xA  }
0xbf: {  	_ =	task.clear_ibuf [dreg:s22], $0x4FFFF;
	_ =	strace $0x90000049  }
0xc0: {  	s29 =	simm.s32 $0xA;
	_ =	strace $0x8000004B  }
0xc1: {  	_ =	swait.ge [sflag:s29], $0x1  }
0xc2: {  	[sflag:s29] =	ssyncadd.s32 $0xFFFFFFFF  }
0xc3: {  	_ =	strace $0x9000004B  }
0xc4: {  	_ =	sfence  }
0xc5: {  	s30 =	sld [smem:$0x0];
	_ =	sdelay $0x2  }
0xc6: {  	s31 =	sshll.u32 s1, $0xD;
	s1 =	sshrl.u32 s1, $0x2  }
0xc7: {  	s4 =	sand.u32 $0x4000, s31;
	s1 =	sadd.s32 s1, s30  }
0xc8: {  	s0 =	sor.u32 s4, s0;
	s1 =	sshll.u32 s1, $0x11  }
0xc9: {  	s0 =	sor.u32 s1, s0  }
0xca: {  	s0 =	sadd.s32 $0x8F2B, s0  }
0xcb: {  	[sflag:s0] =	ssyncadd.remote.s32 $0x1  }
0xcc: {  	_ =	sfence.sel $0xFFFF  }
0xcd: {  	[dreg:$0x0] =	wrdreg $0xFFFFFFFF;
	(pc) =	sbr.abs _section_cstart, $3  }
0xce: {  	[dreg:$0x1] =	wrdreg $0xFFFFFFFF  }
0xcf: {  	_ =	task.clear_ibuf [dreg:s22], $0x2FFFF;
	_ =	strace $0x9FFFFFFF  }
0xd0: {  	(tm) =	ssettm $0x7FFFFFFF  }
0xd1: {  	_ =	shalt  }
tec
execute0_lowered:
.L_overlay_start_1:
0x0: {  	(tag) =	ssettag $0x1  }
0x1: {  	s1 =	srdreg.scid;
	s0 =	stileid.u32  }
0x2: {  	s19 =	sand.u32 $0x1, s1;
	s28 =	sshll.u32 s0, $0x1  }
0x3: {  	s11 =	sor.u32 s19, s28  }
0x4: {  	s15 =	smul.u32 $0x1900, s11  }
0x5: {  	s12 =	rddreg [dreg:$0x0];
	s2 =	simm.s32 $0x0;
	s4 =	simm.s32 $0x5  }
0x6: {  	[smem:$0x7FF] =	sst s2;
	s16 =	sadd.s32 $0x6AE00, s12;
	s3 =	sshrl.u32 s15, $0x3  }
0x7: {  	s1 =	rddreg [dreg:$0x1];
	_ =	strace $0x8000004A;
	s3 =	sadd.s32 s16, s3  }
0x8: {  	[tilespmem:s2], [sflag:$0x5] =	stream.linear.gather [hbm4b:s3+s2], $0x640, $0x38;
	[tilespmem:$0x19C80] =	vst v63  }
0x9: {  	s6 =	simm.s32 $0x640;
	_ =	swait.ge [sflag:s4], $0x640  }
0xa: {  	s7 =	simm.s32 $0xC80;
	s17 =	sadd.s32 $0x640, s15;
	[sflag:s4] =	ssyncset.done $0x0  }
0xb: {  	s5 =	sadd.s32 $0x4E00, s12;
	s8 =	sshrl.u32 s17, $0x3;
	[sflag:s4] =	ssyncadd.s32 $0xFFFFF9C0  }
0xc: {  	[tilespmem:s7], [sflag:$0x1] =	stream.indirect.gather [hbm4b:s5+s6], $0x20, s2, s6, $0xb8;
	[tilespmem:$0x19C80] =	vst v63  }
0xd: {  	s8 =	sadd.s32 s16, s8  }
0xe: {  	[tilespmem:s6], [sflag:$0x5] =	stream.linear.gather [hbm4b:s8+s2], $0x640, $0x38;
	[tilespmem:$0x19C80] =	vst v63  }
0xf: {  	_ =	swait.ge [sflag:s4], $0x640  }
0x10: {  	[sflag:s4] =	ssyncset.done $0x0  }
0x11: {  	s9 =	simm.s32 $0xD480;
	s10 =	simm.s32 $0x1;
	[sflag:s4] =	ssyncadd.s32 $0xFFFFF9C0  }
0x12: {  	[tilespmem:s9], [sflag:$0x2] =	stream.indirect.gather [hbm4b:s5+s6], $0x20, s6, s6, $0xb8;
	[tilespmem:$0x19C80] =	vst v63  }
0x13: {  	s11 =	smul.u32 $0x6400, s11;
	_ =	swait.ge [sflag:s10], $0xC800  }
0x14: {  	s20 =	sadd.s32 $0x71200, s12;
	s18 =	sadd.s32 $0xC80, s15;
	[sflag:s10] =	ssyncset.done $0x0  }
0x15: {  	s11 =	sadd.s32 s20, s11;
	s29 =	sshrl.u32 s18, $0x3;
	[sflag:s10] =	ssyncadd.s32 $0xFFFF3800  }
0x16: {  	[hbm4b:s11+s2] =	stream.linear.scatter [tilespmem:s7], [sflag:$0x3], $0xC800, $0x38;
	[tilespmem:$0x19C80] =	vst v63  }
0x17: {  	s12 =	sadd.s32 s16, s29  }
0x18: {  	[tilespmem:s2], [sflag:$0x5] =	stream.linear.gather [hbm4b:s12+s2], $0x640, $0x38;
	[tilespmem:$0x19C80] =	vst v63  }
0x19: {  	_ =	swait.ge [sflag:s4], $0x640  }
0x1a: {  	[sflag:s4] =	ssyncset.done $0x0  }
0x1b: {  	s13 =	simm.s32 $0x3;
	[sflag:s4] =	ssyncadd.s32 $0xFFFFF9C0  }
0x1c: {  	_ =	swait.ge [sflag:s13], $0xC800  }
0x1d: {  	[sflag:s13] =	ssyncset.done $0x0  }
0x1e: {  	s14 =	simm.s32 $0x2;
	[sflag:s13] =	ssyncadd.s32 $0xFFFF3800  }
0x1f: {  	[tilespmem:s7], [sflag:$0x1] =	stream.indirect.gather [hbm4b:s5+s6], $0x20, s2, s6, $0xb8;
	[tilespmem:$0x19C80] =	vst v63  }
0x20: {  	_ =	swait.ge [sflag:s14], $0xC800  }
0x21: {  	s21 =	sadd.s32 $0x12C0, s15;
	s17 =	sshll.u32 s17, $0x2;
	[sflag:s14] =	ssyncset.done $0x0  }
0x22: {  	s30 =	sshrl.u32 s21, $0x3;
	s15 =	sadd.s32 s20, s17;
	[sflag:s14] =	ssyncadd.s32 $0xFFFF3800  }
0x23: {  	[hbm4b:s15+s2] =	stream.linear.scatter [tilespmem:s9], [sflag:$0x4], $0xC800, $0x38;
	[tilespmem:$0x19C80] =	vst v63  }
0x24: {  	s16 =	sadd.s32 s16, s30  }
0x25: {  	[tilespmem:s6], [sflag:$0x5] =	stream.linear.gather [hbm4b:s16+s2], $0x640, $0x38;
	[tilespmem:$0x19C80] =	vst v63  }
0x26: {  	_ =	swait.ge [sflag:s4], $0x640  }
0x27: {  	[sflag:s4] =	ssyncset.done $0x0  }
0x28: {  	s17 =	simm.s32 $0x4;
	[sflag:s4] =	ssyncadd.s32 $0xFFFFF9C0  }
0x29: {  	_ =	swait.ge [sflag:s17], $0xC800  }
0x2a: {  	[sflag:s17] =	ssyncset.done $0x0  }
0x2b: {  	[sflag:s17] =	ssyncadd.s32 $0xFFFF3800  }
0x2c: {  	[tilespmem:s9], [sflag:$0x2] =	stream.indirect.gather [hbm4b:s5+s6], $0x20, s6, s6, $0xb8;
	[tilespmem:$0x19C80] =	vst v63  }
0x2d: {  	s22 =	ssub.s32 $0x2, s19;
	_ =	swait.ge [sflag:s10], $0xC800  }
0x2e: {  	s31 =	sshrl.u32 s22, $0x1;
	s18 =	sshll.u32 s18, $0x2;
	[sflag:s10] =	ssyncset.done $0x0  }
0x2f: {  	s21 =	sshll.u32 s21, $0x2;
	s18 =	sadd.s32 s20, s18;
	[sflag:s10] =	ssyncadd.s32 $0xFFFF3800  }
0x30: {  	[hbm4b:s18+s2] =	stream.linear.scatter [tilespmem:s7], [sflag:$0x3], $0xC800, $0x38;
	[tilespmem:$0x19C80] =	vst v63  }
0x31: {  	s19 =	sadd.s32 s20, s21;
	s20 =	ssub.s32 s22, s31;
	_ =	swait.ge [sflag:s14], $0xC800  }
0x32: {  	s20 =	smax.u32 s20, $0x1;
	[sflag:s14] =	ssyncset.done $0x0  }
0x33: {  	p0 =	sne.s32 s20, $0x1;
	[sflag:s14] =	ssyncadd.s32 $0xFFFF3800  }
0x34: {  	[hbm4b:s19+s2] =	stream.linear.scatter [tilespmem:s9], [sflag:$0x4], $0xC800, $0x38;
	[tilespmem:$0x19C80] =	vst v63  }
.Ltmp0:
0x35: {  	_ =	swait.ge [sflag:s13], $0xC800;
	(pc) =	sbr.rel @!p0 .LBB2_2-.Ltmp0, $4  }
0x36: {  	[sflag:s13] =	ssyncset.done $0x0  }
0x37: {  	[sflag:s13] =	ssyncadd.s32 $0xFFFF3800  }
0x38: {  	_ =	swait.ge [sflag:s17], $0xC800  }
0x39: {  	s20 =	sadd.s32 $0xFFFFFFFF, s20;
	[sflag:s17] =	ssyncset.done $0x0  }
.LBB2_1:
0x3a: {  	p0 =	sne.s32 s20, $0x1;
	s20 =	sadd.s32 $0xFFFFFFFF, s20;
	[sflag:s17] =	ssyncadd.s32 $0xFFFF3800  }
0x3b: {  	[tilespmem:s2], [sflag:$0x5] =	stream.linear.gather [hbm4b:s3+s2], $0x640, $0x38;
	[tilespmem:$0x19C80] =	vst v63  }
0x3c: {  	_ =	swait.ge [sflag:s4], $0x640  }
0x3d: {  	[sflag:s4] =	ssyncset.done $0x0  }
0x3e: {  	[sflag:s4] =	ssyncadd.s32 $0xFFFFF9C0  }
0x3f: {  	[tilespmem:s7], [sflag:$0x1] =	stream.indirect.gather [hbm4b:s5+s6], $0x20, s2, s6, $0xb8;
	[tilespmem:$0x19C80] =	vst v63  }
0x40: {  	_ = 	snop  }
0x41: {  	[tilespmem:s6], [sflag:$0x5] =	stream.linear.gather [hbm4b:s8+s2], $0x640, $0x38;
	[tilespmem:$0x19C80] =	vst v63  }
0x42: {  	_ =	swait.ge [sflag:s4], $0x640  }
0x43: {  	[sflag:s4] =	ssyncset.done $0x0  }
0x44: {  	[sflag:s4] =	ssyncadd.s32 $0xFFFFF9C0  }
0x45: {  	[tilespmem:s9], [sflag:$0x2] =	stream.indirect.gather [hbm4b:s5+s6], $0x20, s6, s6, $0xb8;
	[tilespmem:$0x19C80] =	vst v63  }
0x46: {  	_ =	swait.ge [sflag:s10], $0xC800  }
0x47: {  	[sflag:s10] =	ssyncset.done $0x0  }
0x48: {  	[sflag:s10] =	ssyncadd.s32 $0xFFFF3800  }
0x49: {  	[hbm4b:s11+s2] =	stream.linear.scatter [tilespmem:s7], [sflag:$0x3], $0xC800, $0x38;
	[tilespmem:$0x19C80] =	vst v63  }
0x4a: {  	_ = 	snop  }
0x4b: {  	[tilespmem:s2], [sflag:$0x5] =	stream.linear.gather [hbm4b:s12+s2], $0x640, $0x38;
	[tilespmem:$0x19C80] =	vst v63  }
0x4c: {  	_ =	swait.ge [sflag:s4], $0x640  }
0x4d: {  	[sflag:s4] =	ssyncset.done $0x0  }
0x4e: {  	[sflag:s4] =	ssyncadd.s32 $0xFFFFF9C0  }
0x4f: {  	_ =	swait.ge [sflag:s13], $0xC800  }
0x50: {  	[sflag:s13] =	ssyncset.done $0x0  }
0x51: {  	[sflag:s13] =	ssyncadd.s32 $0xFFFF3800  }
0x52: {  	[tilespmem:s7], [sflag:$0x1] =	stream.indirect.gather [hbm4b:s5+s6], $0x20, s2, s6, $0xb8;
	[tilespmem:$0x19C80] =	vst v63  }
0x53: {  	_ =	swait.ge [sflag:s14], $0xC800  }
0x54: {  	[sflag:s14] =	ssyncset.done $0x0  }
0x55: {  	[sflag:s14] =	ssyncadd.s32 $0xFFFF3800  }
0x56: {  	[hbm4b:s15+s2] =	stream.linear.scatter [tilespmem:s9], [sflag:$0x4], $0xC800, $0x38;
	[tilespmem:$0x19C80] =	vst v63  }
0x57: {  	_ = 	snop  }
0x58: {  	[tilespmem:s6], [sflag:$0x5] =	stream.linear.gather [hbm4b:s16+s2], $0x640, $0x38;
	[tilespmem:$0x19C80] =	vst v63  }
0x59: {  	_ =	swait.ge [sflag:s4], $0x640  }
0x5a: {  	[sflag:s4] =	ssyncset.done $0x0  }
0x5b: {  	[sflag:s4] =	ssyncadd.s32 $0xFFFFF9C0  }
0x5c: {  	_ =	swait.ge [sflag:s17], $0xC800  }
0x5d: {  	[sflag:s17] =	ssyncset.done $0x0  }
0x5e: {  	[sflag:s17] =	ssyncadd.s32 $0xFFFF3800  }
0x5f: {  	[tilespmem:s9], [sflag:$0x2] =	stream.indirect.gather [hbm4b:s5+s6], $0x20, s6, s6, $0xb8;
	[tilespmem:$0x19C80] =	vst v63  }
0x60: {  	_ =	swait.ge [sflag:s10], $0xC800  }
0x61: {  	[sflag:s10] =	ssyncset.done $0x0  }
0x62: {  	[sflag:s10] =	ssyncadd.s32 $0xFFFF3800  }
0x63: {  	[hbm4b:s18+s2] =	stream.linear.scatter [tilespmem:s7], [sflag:$0x3], $0xC800, $0x38;
	[tilespmem:$0x19C80] =	vst v63  }
0x64: {  	_ =	swait.ge [sflag:s14], $0xC800  }
0x65: {  	[sflag:s14] =	ssyncset.done $0x0  }
0x66: {  	[sflag:s14] =	ssyncadd.s32 $0xFFFF3800  }
0x67: {  	[hbm4b:s19+s2] =	stream.linear.scatter [tilespmem:s9], [sflag:$0x4], $0xC800, $0x38;
	[tilespmem:$0x19C80] =	vst v63  }
.Ltmp1:
0x68: {  	_ =	swait.ge [sflag:s13], $0xC800;
	(pc) =	sbr.rel @p0 .LBB2_1-.Ltmp1, $4  }
0x69: {  	[sflag:s13] =	ssyncset.done $0x0  }
0x6a: {  	[sflag:s13] =	ssyncadd.s32 $0xFFFF3800  }
0x6b: {  	_ =	swait.ge [sflag:s17], $0xC800  }
0x6c: {  	[sflag:s17] =	ssyncset.done $0x0  }
.LBB2_2:
0x6d: {  	[sflag:s17] =	ssyncadd.s32 $0xFFFF3800  }
0x6e: {  	_ =	sfence.sel $0x180000  }
0x6f: {  	[bflag:$0x0] =	sbarrier.arrive $0xFFFF  }
0x70: {  	p0 =	sne.s32 s0, $0x0;
	_ =	strace $0x9000004A  }
0x71: {  	s0 =	sadd.s32 @!p0 $0x100000, s1;
	[bflag:$0x2] =	sbarrier.arrive $0xFFFF  }
0x72: {  	[sflag:s0] =	ssyncadd.tile.s32 @!p0 $0x1;
	_ =	shalt  }
.Lfunc_end2:
_tile_overlayer_lowered:
.L_overlay_start_2:
0x73: {  	(tag) =	ssettag $0x2  }
0x74: {  	s0 =	rddreg [dreg:$0x0];
	s2 =	stileid.u32  }
0x75: {  	s1 =	rddreg [dreg:$0x1];
	p0 =	sne.s32 s2, $0x0  }
0x76: {  	s3 =	rddreg [dreg:$0x2];
	[bflag:$0x3] =	sbarrier.arrive $0xFFFF;
	s2 =	simm.s32 @!p0 $0x1C05  }
0x77: {  	[timem:s3], [sflag:s2] =	dma.local @!p0 [hbm:s0], s1  }
0x78: {  	s0 =	simm.s32 @!p0 $0x5  }
0x79: {  	_ =	swait.ge @!p0 [sflag:s0], s1  }
0x7a: {  	s1 =	ssub.s32 @!p0 $0x0, s1;
	[sflag:s0] =	ssyncset.done @!p0 $0x0  }
0x7b: {  	[sflag:s0] =	ssyncadd.s32 @!p0 s1  }
0x7c: {  	[bflag:$0x3] =	sbarrier.arrive $0xFFFF  }
0x7d: {  	_ =	shalt  }

// kernel: kernel.17.cloned.1.call-start
scs
__scs_entry_jumppad:
0x0: {  	(pc) =	sbr.rel $0x88, $3  }
0x1: {  	(tag) =	ssettag $0x0;
	lr =	simm.s32 $0x1  }
0x2: {  	[smem:$0x3F9B] =	sst lr;
	_ =	strace $0xD0000000  }
0x3: {  	_ = 	snop  }
0x4: {  	_ = 	snop  }
0x5: {  	_ = 	snop  }
0x6: {  	_ = 	snop  }
0x7: {  	_ = 	snop  }
__scs_overlays_trampoline_lowered:
0x8: {  	[smem:$0x3FAA] =	sst s0  }
0x9: {  	[smem:$0x3FAB] =	sst s1  }
0xa: {  	[smem:$0x3FAC] =	sst s2  }
0xb: {  	[smem:$0x3FAD] =	sst s3  }
0xc: {  	[smem:$0x3FAE] =	sst s4  }
0xd: {  	[smem:$0x3FAF] =	sst s5  }
0xe: {  	[smem:$0x3FB0] =	sst s6  }
0xf: {  	[smem:$0x3FB1] =	sst s7  }
0x10: {  	[smem:$0x3FB2] =	sst s8  }
0x11: {  	[smem:$0x3FB3] =	sst s9;
	s0 =	simm.s32 @!p0 $0x0  }
0x12: {  	s1 =	sld [smem:$0x3F99];
	s0 =	simm.s32 @p0 $0x1  }
0x13: {  	[smem:$0x3FB4] =	sst s0;
	s0 =	simm.s32 @!p1 $0x0  }
0x14: {  	s2 =	sld [smem:$0x3F98];
	s0 =	simm.s32 @p1 $0x1  }
0x15: {  	[smem:$0x3FB5] =	sst s0;
	s0 =	simm.s32 @!p2 $0x0  }
0x16: {  	s3 =	sld [smem:$0x3FDB];
	s0 =	simm.s32 @p2 $0x1  }
0x17: {  	s4 =	simm.s32 $0x1BF5;
	[smem:$0x3FB7] =	sst s0  }
0x18: {  	s0 =	sld [smem:$0x3F9A];
	_ =	swait.ge [sflag:s4], $0x0  }
0x19: {  	s7 =	sld [smem:$0x3F9B]  }
0x1a: {  	s8 =	sadd.s32 $0xFFFFE003, lr  }
0x1b: {  	s9 =	sadd.s32 $0xFFFFFEF7, lr;
	s5 =	simm.s32 $0xFFFFFFFF;
	p2 =	slt.u32 s8, $0xFFFFF086  }
0x1c: {  	p1 =	slt.u32 s9, $0xF7A;
	s5 =	simm.s32 @!p2 $0x0  }
0x1d: {  	s5 =	simm.s32 @p1 $0x1;
	p0 =	seq.s32 s7, s2  }
0x1e: {  	s7 =	smul.u32 @!p0 $0xF7A, s2;
	p2 =	seq.s32 @!p0 s5, $0x0  }
0x1f: {  	s9 =	smul.u32 $0xF7A, s1;
	s8 =	simm.s32 @!p0 $0x1BF5;
	p2 =	por !p2, p0  }
0x20: {  	[sflag:s8] =	ssyncset.s32 @!p0 $0xFFFFF086;
	s6 =	sadd.s32 @!p0 s3, s7;
	s7 =	simm.s32 @!p0 $0x108  }
0x21: {  	s3 =	sadd.s32 s3, s9;
	s6 =	sadd.s32 @!p0 $0x88, s6;
	s7 =	simm.s32 @p2 $0x1082  }
0x22: {  	[simem:s7], [sflag:s8] =	dma.local @!p0 [hbm:s6], $0xF7A  }
0x23: {  	s9 =	sor.u32 $0xD0000000, s2;
	s6 =	simm.s32 $0x108;
	_ =	swait.ge @!p0 [sflag:s8], $0x0  }
0x24: {  	s3 =	sadd.s32 $0x88, s3;
	s6 =	simm.s32 @!p1 $0x1082;
	[sflag:s4] =	ssyncset.s32 $0xFFFFF086  }
0x25: {  	[simem:s6], [sflag:s4] =	dma.local [hbm:s3], $0xF7A  }
0x26: {  	[smem:$0x3F9B] =	sst s1;
	(tag) =	ssettag s2;
	_ =	strace s9  }
0x27: {  	s1 =	sld [smem:$0x3FAB]  }
0x28: {  	s2 =	sld [smem:$0x3FAC]  }
0x29: {  	s4 =	sld [smem:$0x3FAE]  }
0x2a: {  	p0 =	seq.s32 s5, $0x0;
	s5 =	sld [smem:$0x3FAF]  }
0x2b: {  	s6 =	sld [smem:$0x3FB0]  }
0x2c: {  	s7 =	sld [smem:$0x3FB1]  }
0x2d: {  	s3 =	simm.s32 $0x108;
	s8 =	sld [smem:$0x3FB2]  }
0x2e: {  	s3 =	simm.s32 @!p0 $0x1082;
	s9 =	sld [smem:$0x3FB3]  }
0x2f: {  	lr =	sadd.s32 s0, s3;
	s0 =	sld [smem:$0x3FAA]  }
0x30: {  	s3 =	sld [smem:$0x3FAD]  }
0x31: {  	[smem:$0x3FB6] =	sst s10  }
0x32: {  	s10 =	sld [smem:$0x3FB4];
	_ =	sdelay $0x3  }
0x33: {  	p0 =	seq.s32 s10, $0x1;
	s10 =	sld [smem:$0x3FB6];
	_ =	sdelay $0x3  }
0x34: {  	[smem:$0x3FB6] =	sst s10  }
0x35: {  	s10 =	sld [smem:$0x3FB5];
	_ =	sdelay $0x3  }
0x36: {  	p1 =	seq.s32 s10, $0x1;
	s10 =	sld [smem:$0x3FB6];
	_ =	sdelay $0x3  }
0x37: {  	[smem:$0x3FB6] =	sst s10  }
0x38: {  	s10 =	sld [smem:$0x3FB7]  }
0x39: {  	_ = 	snop;
	(pc) =	sbr.ind lr, $3  }
0x3a: {  	_ = 	snop  }
0x3b: {  	_ = 	snop  }
0x3c: {  	p2 =	seq.s32 s10, $0x1;
	s10 =	sld [smem:$0x3FB6]  }
0x3d: {  	_ =	shalt  }
0x3e: {  	_ =	shalt  }
0x3f: {  	_ =	shalt  }
0x40: {  	_ =	shalt  }
0x41: {  	_ =	shalt  }
0x42: {  	_ =	shalt  }
0x43: {  	_ =	shalt  }
0x44: {  	_ =	shalt  }
0x45: {  	_ =	shalt  }
0x46: {  	_ =	shalt  }
0x47: {  	_ =	shalt  }
0x48: {  	_ =	shalt  }
0x49: {  	_ =	shalt  }
0x4a: {  	_ =	shalt  }
0x4b: {  	_ =	shalt  }
0x4c: {  	_ =	shalt  }
0x4d: {  	_ =	shalt  }
0x4e: {  	_ =	shalt  }
0x4f: {  	_ =	shalt  }
0x50: {  	_ =	shalt  }
0x51: {  	_ =	shalt  }
0x52: {  	_ =	shalt  }
0x53: {  	_ =	shalt  }
0x54: {  	_ =	shalt  }
0x55: {  	_ =	shalt  }
0x56: {  	_ =	shalt  }
0x57: {  	_ =	shalt  }
0x58: {  	_ =	shalt  }
0x59: {  	_ =	shalt  }
0x5a: {  	_ =	shalt  }
0x5b: {  	_ =	shalt  }
0x5c: {  	_ =	shalt  }
0x5d: {  	_ =	shalt  }
0x5e: {  	_ =	shalt  }
0x5f: {  	_ =	shalt  }
0x60: {  	_ =	shalt  }
0x61: {  	_ =	shalt  }
0x62: {  	_ =	shalt  }
0x63: {  	_ =	shalt  }
0x64: {  	_ =	shalt  }
0x65: {  	_ =	shalt  }
0x66: {  	_ =	shalt  }
0x67: {  	_ =	shalt  }
0x68: {  	_ =	shalt  }
0x69: {  	_ =	shalt  }
0x6a: {  	_ =	shalt  }
0x6b: {  	_ =	shalt  }
0x6c: {  	_ =	shalt  }
0x6d: {  	_ =	shalt  }
0x6e: {  	_ =	shalt  }
0x6f: {  	_ =	shalt  }
0x70: {  	_ =	shalt  }
0x71: {  	_ =	shalt  }
0x72: {  	_ =	shalt  }
0x73: {  	_ =	shalt  }
0x74: {  	_ =	shalt  }
0x75: {  	_ =	shalt  }
0x76: {  	_ =	shalt  }
0x77: {  	_ =	shalt  }
0x78: {  	_ =	shalt  }
0x79: {  	_ =	shalt  }
0x7a: {  	_ =	shalt  }
0x7b: {  	_ =	shalt  }
0x7c: {  	_ =	shalt  }
0x7d: {  	_ =	shalt  }
0x7e: {  	_ =	shalt  }
0x7f: {  	_ =	shalt  }
0x80: {  	_ =	shalt  }
0x81: {  	_ =	shalt  }
0x82: {  	_ =	shalt  }
0x83: {  	_ =	shalt  }
0x84: {  	_ =	shalt  }
0x85: {  	_ =	shalt  }
0x86: {  	_ =	shalt  }
0x87: {  	_ =	shalt  }
.Lfunc_end0:
.L_simem_size_0:
called_computation.2_lowered:
.L_overlay_start_0:
0x88: {  	s2 =	sld [smem:$0x3FD9]  }
0x89: {  	s3 =	sld [smem:$0x3FFE];
	_ =	sdelay $0x1  }
0x8a: {  	s1 =	srdreg.scid  }
0x8b: {  	s0 =	sand.u32 $0x1, s1  }
0x8c: {  	s17 =	sshll.u32 s0, $0xA;
	s2 =	sadd.s32 s3, s2  }
0x8d: {  	s2 =	sadd.s32 s2, s17  }
0x8e: {  	[smem:$0x3FC2] =	sst s2  }
0x8f: {  	_ = 	snop  }
0x90: {  	s18 =	sld [smem:$0x3FD0];
	(tm) =	ssettm $0x1  }
0x91: {  	s19 =	sld [smem:$0x3FFB];
	_ =	sdelay $0x3  }
0x92: {  	_ =	strace s19  }
0x93: {  	s2 =	sld [smem:$0x3FFC];
	_ =	sdelay $0x3  }
0x94: {  	_ =	strace s2  }
0x95: {  	s2 =	sld [smem:$0x3FFD];
	_ =	sdelay $0x3  }
0x96: {  	_ =	strace s2  }
0x97: {  	_ =	strace $0x8FFFFFFF  }
0x98: {  	s20 =	sld [smem:$0x3FDB];
	_ =	sdelay $0x1  }
0x99: {  	s4 =	simm.s32 $_scs_section_size  }
0x9a: {  	s5 =	simm.s32 $_size__tile_overlayer_lowered;
	s6 =	simm.s32 $_tile_overlayer_lowered  }
0x9b: {  	s7 =	simm.s32 $0x1BFF;
	s21 =	sshll.u32 s6, $0x1;
	s4 =	sadd.s32 s4, s20  }
0x9c: {  	s22 =	simm.s32 $0x0;
	s5 =	sshll.u32 s5, $0x1;
	s6 =	sadd.s32 s21, s4  }
0x9d: {  	[timem:s22], [sflag:s7] =	dma.local [hbm:s6], s5  }
0x9e: {  	_ =	swait.ge [sflag:s7], s5  }
0x9f: {  	s5 =	ssub.s32 $0x0, s5;
	[sflag:s7] =	ssyncset.done $0x0  }
0xa0: {  	[sflag:s7] =	ssyncadd.s32 s5;
	_ =	sdelay $0x1  }
0xa1: {  	s23 =	simm.s32 $0x1B8B  }
0xa2: {  	_ =	swait.ge [sflag:s23], $0x1  }
0xa3: {  	[sflag:s23] =	ssyncset.done $0x0  }
0xa4: {  	[sflag:s23] =	ssyncadd.s32 $0xFFFFFFFF  }
0xa5: {  	s5 =	sld [smem:$0x0]  }
0xa6: {  	s6 =	sand.u32 $0xFFFFFFFE, s1  }
0xa7: {  	p0 =	sne.s32 s1, s6  }
0xa8: {  	s6 =	sshll.u32 @p0 s6, $0xE  }
0xa9: {  	s6 =	sadd.s32 @p0 $0x11B8D, s6;
	s7 =	sshll.u32 @p0 s5, $0x11  }
0xaa: {  	s6 =	sor.u32 @p0 s7, s6  }
0xab: {  	[sflag:s6] =	ssyncadd.remote.s32 @p0 $0x1;
	_ =	sdelay $0x1  }
0xac: {  	s6 =	simm.s32 @p0 $0x1B8D  }
0xad: {  	_ =	swait.eq @p0 [sflag:s6], $0x1  }
0xae: {  	[sflag:s6] =	ssyncadd.s32 @p0 $0xFFFFFFFF  }
0xaf: {  	s7 =	sshll.u32 @!p0 s1, $0xE  }
0xb0: {  	s7 =	sor.u32 @!p0 $0x4000, s7;
	s6 =	simm.s32 @!p0 $0x1B8D  }
0xb1: {  	s5 =	sshll.u32 @!p0 s5, $0x11;
	s7 =	sadd.s32 @!p0 $0x11B8D, s7;
	_ =	swait.eq @!p0 [sflag:s6], $0x1  }
0xb2: {  	s5 =	sor.u32 @!p0 s5, s7;
	[sflag:s6] =	ssyncadd.s32 @!p0 $0xFFFFFFFF  }
0xb3: {  	s25 =	simm.s32 $0x1B8E;
	s24 =	sld [smem:$0x3FFE];
	[sflag:s5] =	ssyncadd.remote.s32 @!p0 $0x1  }
0xb4: {  	s26 =	simm.s32 $execute0_lowered;
	[smem:$0x3FD2] =	sst s25  }
0xb5: {  	s6 =	sshll.u32 s26, $0x1;
	_ =	strace $0x8000004F;
	[dreg:$0x1] =	wrdreg $0xFFFFFFFF  }
0xb6: {  	s28 =	simm.s32 $_size_execute0_lowered;
	s4 =	sadd.s32 s4, s6;
	[dreg:$0x0] =	wrdreg $0x0  }
0xb7: {  	s6 =	sshll.u32 s28, $0x1;
	[dreg:$0x2] =	wrdreg s4  }
0xb8: {  	[dreg:$0x3] =	wrdreg s6  }
0xb9: {  	[dreg:$0x4] =	wrdreg $0xC0  }
0xba: {  	_ =	task [dreg:s22], $0x5FFFF  }
0xbb: {  	[dreg:$0x1] =	wrdreg $0xFFFFFFFF  }
0xbc: {  	[dreg:$0x0] =	wrdreg $0x60  }
0xbd: {  	[dreg:$0x2] =	wrdreg s24  }
0xbe: {  	[dreg:$0x3] =	wrdreg s18  }
0xbf: {  	[dreg:$0x4] =	wrdreg $0xB  }
0xc0: {  	_ =	task.clear_ibuf [dreg:s22], $0x5FFFF;
	_ =	strace $0x9000004F  }
0xc1: {  	s29 =	simm.s32 $0xB;
	_ =	strace $0x80000051  }
0xc2: {  	_ =	swait.ge [sflag:s29], $0x1  }
0xc3: {  	[sflag:s29] =	ssyncadd.s32 $0xFFFFFFFF  }
0xc4: {  	_ =	strace $0x90000051  }
0xc5: {  	_ =	sfence  }
0xc6: {  	s30 =	sld [smem:$0x0];
	_ =	sdelay $0x2  }
0xc7: {  	s31 =	sshll.u32 s1, $0xD;
	s1 =	sshrl.u32 s1, $0x2  }
0xc8: {  	s4 =	sand.u32 $0x4000, s31;
	s1 =	sadd.s32 s1, s30  }
0xc9: {  	s0 =	sor.u32 s4, s0;
	s1 =	sshll.u32 s1, $0x11  }
0xca: {  	s0 =	sor.u32 s1, s0  }
0xcb: {  	s0 =	sadd.s32 $0x8F2B, s0  }
0xcc: {  	[sflag:s0] =	ssyncadd.remote.s32 $0x1  }
0xcd: {  	_ =	sfence.sel $0xFFFF  }
0xce: {  	[dreg:$0x0] =	wrdreg $0xFFFFFFFF;
	(pc) =	sbr.abs _section_cstart, $3  }
0xcf: {  	[dreg:$0x1] =	wrdreg $0xFFFFFFFF  }
0xd0: {  	_ =	task.clear_ibuf [dreg:s22], $0x2FFFF;
	_ =	strace $0x9FFFFFFF  }
0xd1: {  	(tm) =	ssettm $0x7FFFFFFF  }
tec
execute0_lowered:
.L_overlay_start_1:
0x0: {  	(tag) =	ssettag $0x1  }
0x1: {  	s1 =	srdreg.scid;
	s0 =	stileid.u32  }
0x2: {  	s21 =	sand.u32 $0x1, s1;
	s24 =	sshll.u32 s0, $0x1  }
0x3: {  	s12 =	sor.u32 s21, s24  }
0x4: {  	s11 =	rddreg [dreg:$0x0];
	s18 =	smul.u32 $0x1F40, s12  }
0x5: {  	s19 =	rddreg [dreg:$0x1];
	s2 =	simm.s32 $0x0  }
0x6: {  	s4 =	simm.s32 $0x5;
	[smem:$0x7FF] =	sst s2;
	s3 =	sshrl.u32 s18, $0x3  }
0x7: {  	s1 =	rddreg [dreg:$0x2];
	_ =	strace $0x80000050;
	s3 =	sadd.s32 s19, s3  }
0x8: {  	[tilespmem:s2], [sflag:$0x5] =	stream.linear.gather [hbm4b:s3+s2], $0x640, $0x38;
	[tilespmem:$0x19C80] =	vst v63  }
0x9: {  	s6 =	simm.s32 $0x640;
	_ =	swait.ge [sflag:s4], $0x640  }
0xa: {  	s7 =	simm.s32 $0xC80;
	s15 =	sadd.s32 $0x640, s18;
	[sflag:s4] =	ssyncset.done $0x0  }
0xb: {  	s5 =	sadd.s32 $0x4E00, s11;
	s8 =	sshrl.u32 s15, $0x3;
	[sflag:s4] =	ssyncadd.s32 $0xFFFFF9C0  }
0xc: {  	[tilespmem:s7], [sflag:$0x1] =	stream.indirect.gather [hbm4b:s5+s6], $0x20, s2, s6, $0xb8;
	[tilespmem:$0x19C80] =	vst v63  }
0xd: {  	s8 =	sadd.s32 s19, s8  }
0xe: {  	[tilespmem:s6], [sflag:$0x5] =	stream.linear.gather [hbm4b:s8+s2], $0x640, $0x38;
	[tilespmem:$0x19C80] =	vst v63  }
0xf: {  	_ =	swait.ge [sflag:s4], $0x640  }
0x10: {  	[sflag:s4] =	ssyncset.done $0x0  }
0x11: {  	s9 =	simm.s32 $0xD480;
	s10 =	simm.s32 $0x1;
	[sflag:s4] =	ssyncadd.s32 $0xFFFFF9C0  }
0x12: {  	[tilespmem:s9], [sflag:$0x2] =	stream.indirect.gather [hbm4b:s5+s6], $0x20, s6, s6, $0xb8;
	[tilespmem:$0x19C80] =	vst v63  }
0x13: {  	s12 =	smul.u32 $0x7D00, s12;
	_ =	swait.ge [sflag:s10], $0xC800  }
0x14: {  	s22 =	sadd.s32 $0x23B000, s11;
	s20 =	sadd.s32 $0xC80, s18;
	[sflag:s10] =	ssyncset.done $0x0  }
0x15: {  	s11 =	sadd.s32 s22, s12;
	s25 =	sshrl.u32 s20, $0x3;
	[sflag:s10] =	ssyncadd.s32 $0xFFFF3800  }
0x16: {  	[hbm4b:s11+s2] =	stream.linear.scatter [tilespmem:s7], [sflag:$0x3], $0xC800, $0x38;
	[tilespmem:$0x19C80] =	vst v63  }
0x17: {  	s12 =	sadd.s32 s19, s25  }
0x18: {  	[tilespmem:s2], [sflag:$0x5] =	stream.linear.gather [hbm4b:s12+s2], $0x640, $0x38;
	[tilespmem:$0x19C80] =	vst v63  }
0x19: {  	_ =	swait.ge [sflag:s4], $0x640  }
0x1a: {  	[sflag:s4] =	ssyncset.done $0x0  }
0x1b: {  	s13 =	simm.s32 $0x3;
	[sflag:s4] =	ssyncadd.s32 $0xFFFFF9C0  }
0x1c: {  	_ =	swait.ge [sflag:s13], $0xC800  }
0x1d: {  	[sflag:s13] =	ssyncset.done $0x0  }
0x1e: {  	s14 =	simm.s32 $0x2;
	[sflag:s13] =	ssyncadd.s32 $0xFFFF3800  }
0x1f: {  	[tilespmem:s7], [sflag:$0x1] =	stream.indirect.gather [hbm4b:s5+s6], $0x20, s2, s6, $0xb8;
	[tilespmem:$0x19C80] =	vst v63  }
0x20: {  	_ =	swait.ge [sflag:s14], $0xC800  }
0x21: {  	s23 =	sadd.s32 $0x12C0, s18;
	s15 =	sshll.u32 s15, $0x2;
	[sflag:s14] =	ssyncset.done $0x0  }
0x22: {  	s16 =	sshrl.u32 s23, $0x3;
	s15 =	sadd.s32 s22, s15;
	[sflag:s14] =	ssyncadd.s32 $0xFFFF3800  }
0x23: {  	[hbm4b:s15+s2] =	stream.linear.scatter [tilespmem:s9], [sflag:$0x4], $0xC800, $0x38;
	[tilespmem:$0x19C80] =	vst v63  }
0x24: {  	s16 =	sadd.s32 s19, s16  }
0x25: {  	[tilespmem:s6], [sflag:$0x5] =	stream.linear.gather [hbm4b:s16+s2], $0x640, $0x38;
	[tilespmem:$0x19C80] =	vst v63  }
0x26: {  	_ =	swait.ge [sflag:s4], $0x640  }
0x27: {  	[sflag:s4] =	ssyncset.done $0x0  }
0x28: {  	s17 =	simm.s32 $0x4;
	[sflag:s4] =	ssyncadd.s32 $0xFFFFF9C0  }
0x29: {  	_ =	swait.ge [sflag:s17], $0xC800  }
0x2a: {  	[sflag:s17] =	ssyncset.done $0x0  }
0x2b: {  	[sflag:s17] =	ssyncadd.s32 $0xFFFF3800  }
0x2c: {  	[tilespmem:s9], [sflag:$0x2] =	stream.indirect.gather [hbm4b:s5+s6], $0x20, s6, s6, $0xb8;
	[tilespmem:$0x19C80] =	vst v63  }
0x2d: {  	_ =	swait.ge [sflag:s10], $0xC800  }
0x2e: {  	s24 =	sadd.s32 $0x1900, s18;
	s20 =	sshll.u32 s20, $0x2;
	[sflag:s10] =	ssyncset.done $0x0  }
0x2f: {  	s26 =	sshrl.u32 s24, $0x3;
	s18 =	sadd.s32 s22, s20;
	[sflag:s10] =	ssyncadd.s32 $0xFFFF3800  }
0x30: {  	[hbm4b:s18+s2] =	stream.linear.scatter [tilespmem:s7], [sflag:$0x3], $0xC800, $0x38;
	[tilespmem:$0x19C80] =	vst v63  }
0x31: {  	s19 =	sadd.s32 s19, s26  }
0x32: {  	[tilespmem:s2], [sflag:$0x5] =	stream.linear.gather [hbm4b:s19+s2], $0x640, $0x38;
	[tilespmem:$0x19C80] =	vst v63  }
0x33: {  	_ =	swait.ge [sflag:s4], $0x640  }
0x34: {  	[sflag:s4] =	ssyncset.done $0x0  }
0x35: {  	[sflag:s4] =	ssyncadd.s32 $0xFFFFF9C0  }
0x36: {  	_ =	swait.ge [sflag:s13], $0xC800  }
0x37: {  	[sflag:s13] =	ssyncset.done $0x0  }
0x38: {  	[sflag:s13] =	ssyncadd.s32 $0xFFFF3800  }
0x39: {  	[tilespmem:s7], [sflag:$0x1] =	stream.indirect.gather [hbm4b:s5+s6], $0x20, s2, s6, $0xb8;
	[tilespmem:$0x19C80] =	vst v63  }
0x3a: {  	s30 =	ssub.s32 $0x2, s21;
	_ =	swait.ge [sflag:s14], $0xC800  }
0x3b: {  	s31 =	sshrl.u32 s30, $0x1;
	s28 =	sshll.u32 s23, $0x2;
	[sflag:s14] =	ssyncset.done $0x0  }
0x3c: {  	s29 =	sshll.u32 s24, $0x2;
	s20 =	sadd.s32 s22, s28;
	[sflag:s14] =	ssyncadd.s32 $0xFFFF3800  }
0x3d: {  	[hbm4b:s20+s2] =	stream.linear.scatter [tilespmem:s9], [sflag:$0x4], $0xC800, $0x38;
	[tilespmem:$0x19C80] =	vst v63  }
0x3e: {  	s21 =	sadd.s32 s22, s29;
	s22 =	ssub.s32 s30, s31;
	_ =	swait.ge [sflag:s10], $0xC800  }
0x3f: {  	s22 =	smax.u32 s22, $0x1;
	[sflag:s10] =	ssyncset.done $0x0  }
0x40: {  	p0 =	sne.s32 s22, $0x1;
	[sflag:s10] =	ssyncadd.s32 $0xFFFF3800  }
0x41: {  	[hbm4b:s21+s2] =	stream.linear.scatter [tilespmem:s7], [sflag:$0x3], $0xC800, $0x38;
	[tilespmem:$0x19C80] =	vst v63  }
.Ltmp0:
0x42: {  	_ =	swait.ge [sflag:s17], $0xC800;
	(pc) =	sbr.rel @!p0 .LBB2_2-.Ltmp0, $4  }
0x43: {  	[sflag:s17] =	ssyncset.done $0x0  }
0x44: {  	[sflag:s17] =	ssyncadd.s32 $0xFFFF3800  }
0x45: {  	_ =	swait.ge [sflag:s13], $0xC800  }
0x46: {  	s22 =	sadd.s32 $0xFFFFFFFF, s22;
	[sflag:s13] =	ssyncset.done $0x0  }
.LBB2_1:
0x47: {  	p0 =	sne.s32 s22, $0x1;
	s22 =	sadd.s32 $0xFFFFFFFF, s22;
	[sflag:s13] =	ssyncadd.s32 $0xFFFF3800  }
0x48: {  	[tilespmem:s2], [sflag:$0x5] =	stream.linear.gather [hbm4b:s3+s2], $0x640, $0x38;
	[tilespmem:$0x19C80] =	vst v63  }
0x49: {  	_ =	swait.ge [sflag:s4], $0x640  }
0x4a: {  	[sflag:s4] =	ssyncset.done $0x0  }
0x4b: {  	[sflag:s4] =	ssyncadd.s32 $0xFFFFF9C0  }
0x4c: {  	[tilespmem:s7], [sflag:$0x1] =	stream.indirect.gather [hbm4b:s5+s6], $0x20, s2, s6, $0xb8;
	[tilespmem:$0x19C80] =	vst v63  }
0x4d: {  	_ = 	snop  }
0x4e: {  	[tilespmem:s6], [sflag:$0x5] =	stream.linear.gather [hbm4b:s8+s2], $0x640, $0x38;
	[tilespmem:$0x19C80] =	vst v63  }
0x4f: {  	_ =	swait.ge [sflag:s4], $0x640  }
0x50: {  	[sflag:s4] =	ssyncset.done $0x0  }
0x51: {  	[sflag:s4] =	ssyncadd.s32 $0xFFFFF9C0  }
0x52: {  	[tilespmem:s9], [sflag:$0x2] =	stream.indirect.gather [hbm4b:s5+s6], $0x20, s6, s6, $0xb8;
	[tilespmem:$0x19C80] =	vst v63  }
0x53: {  	_ =	swait.ge [sflag:s10], $0xC800  }
0x54: {  	[sflag:s10] =	ssyncset.done $0x0  }
0x55: {  	[sflag:s10] =	ssyncadd.s32 $0xFFFF3800  }
0x56: {  	[hbm4b:s11+s2] =	stream.linear.scatter [tilespmem:s7], [sflag:$0x3], $0xC800, $0x38;
	[tilespmem:$0x19C80] =	vst v63  }
0x57: {  	_ = 	snop  }
0x58: {  	[tilespmem:s2], [sflag:$0x5] =	stream.linear.gather [hbm4b:s12+s2], $0x640, $0x38;
	[tilespmem:$0x19C80] =	vst v63  }
0x59: {  	_ =	swait.ge [sflag:s4], $0x640  }
0x5a: {  	[sflag:s4] =	ssyncset.done $0x0  }
0x5b: {  	[sflag:s4] =	ssyncadd.s32 $0xFFFFF9C0  }
0x5c: {  	_ =	swait.ge [sflag:s13], $0xC800  }
0x5d: {  	[sflag:s13] =	ssyncset.done $0x0  }
0x5e: {  	[sflag:s13] =	ssyncadd.s32 $0xFFFF3800  }
0x5f: {  	[tilespmem:s7], [sflag:$0x1] =	stream.indirect.gather [hbm4b:s5+s6], $0x20, s2, s6, $0xb8;
	[tilespmem:$0x19C80] =	vst v63  }
0x60: {  	_ =	swait.ge [sflag:s14], $0xC800  }
0x61: {  	[sflag:s14] =	ssyncset.done $0x0  }
0x62: {  	[sflag:s14] =	ssyncadd.s32 $0xFFFF3800  }
0x63: {  	[hbm4b:s15+s2] =	stream.linear.scatter [tilespmem:s9], [sflag:$0x4], $0xC800, $0x38;
	[tilespmem:$0x19C80] =	vst v63  }
0x64: {  	_ = 	snop  }
0x65: {  	[tilespmem:s6], [sflag:$0x5] =	stream.linear.gather [hbm4b:s16+s2], $0x640, $0x38;
	[tilespmem:$0x19C80] =	vst v63  }
0x66: {  	_ =	swait.ge [sflag:s4], $0x640  }
0x67: {  	[sflag:s4] =	ssyncset.done $0x0  }
0x68: {  	[sflag:s4] =	ssyncadd.s32 $0xFFFFF9C0  }
0x69: {  	_ =	swait.ge [sflag:s17], $0xC800  }
0x6a: {  	[sflag:s17] =	ssyncset.done $0x0  }
0x6b: {  	[sflag:s17] =	ssyncadd.s32 $0xFFFF3800  }
0x6c: {  	[tilespmem:s9], [sflag:$0x2] =	stream.indirect.gather [hbm4b:s5+s6], $0x20, s6, s6, $0xb8;
	[tilespmem:$0x19C80] =	vst v63  }
0x6d: {  	_ =	swait.ge [sflag:s10], $0xC800  }
0x6e: {  	[sflag:s10] =	ssyncset.done $0x0  }
0x6f: {  	[sflag:s10] =	ssyncadd.s32 $0xFFFF3800  }
0x70: {  	[hbm4b:s18+s2] =	stream.linear.scatter [tilespmem:s7], [sflag:$0x3], $0xC800, $0x38;
	[tilespmem:$0x19C80] =	vst v63  }
0x71: {  	_ = 	snop  }
0x72: {  	[tilespmem:s2], [sflag:$0x5] =	stream.linear.gather [hbm4b:s19+s2], $0x640, $0x38;
	[tilespmem:$0x19C80] =	vst v63  }
0x73: {  	_ =	swait.ge [sflag:s4], $0x640  }
0x74: {  	[sflag:s4] =	ssyncset.done $0x0  }
0x75: {  	[sflag:s4] =	ssyncadd.s32 $0xFFFFF9C0  }
0x76: {  	_ =	swait.ge [sflag:s13], $0xC800  }
0x77: {  	[sflag:s13] =	ssyncset.done $0x0  }
0x78: {  	[sflag:s13] =	ssyncadd.s32 $0xFFFF3800  }
0x79: {  	[tilespmem:s7], [sflag:$0x1] =	stream.indirect.gather [hbm4b:s5+s6], $0x20, s2, s6, $0xb8;
	[tilespmem:$0x19C80] =	vst v63  }
0x7a: {  	_ =	swait.ge [sflag:s14], $0xC800  }
0x7b: {  	[sflag:s14] =	ssyncset.done $0x0  }
0x7c: {  	[sflag:s14] =	ssyncadd.s32 $0xFFFF3800  }
0x7d: {  	[hbm4b:s20+s2] =	stream.linear.scatter [tilespmem:s9], [sflag:$0x4], $0xC800, $0x38;
	[tilespmem:$0x19C80] =	vst v63  }
0x7e: {  	_ =	swait.ge [sflag:s10], $0xC800  }
0x7f: {  	[sflag:s10] =	ssyncset.done $0x0  }
0x80: {  	[sflag:s10] =	ssyncadd.s32 $0xFFFF3800  }
0x81: {  	[hbm4b:s21+s2] =	stream.linear.scatter [tilespmem:s7], [sflag:$0x3], $0xC800, $0x38;
	[tilespmem:$0x19C80] =	vst v63  }
.Ltmp1:
0x82: {  	_ =	swait.ge [sflag:s17], $0xC800;
	(pc) =	sbr.rel @p0 .LBB2_1-.Ltmp1, $4  }
0x83: {  	[sflag:s17] =	ssyncset.done $0x0  }
0x84: {  	[sflag:s17] =	ssyncadd.s32 $0xFFFF3800  }
0x85: {  	_ =	swait.ge [sflag:s13], $0xC800  }
0x86: {  	[sflag:s13] =	ssyncset.done $0x0  }
.LBB2_2:
0x87: {  	[sflag:s13] =	ssyncadd.s32 $0xFFFF3800  }
0x88: {  	_ =	sfence.sel $0x180000  }
0x89: {  	[bflag:$0x0] =	sbarrier.arrive $0xFFFF  }
0x8a: {  	p0 =	sne.s32 s0, $0x0;
	_ =	strace $0x90000050  }
0x8b: {  	s0 =	sadd.s32 @!p0 $0x100000, s1;
	[bflag:$0x2] =	sbarrier.arrive $0xFFFF  }
0x8c: {  	[sflag:s0] =	ssyncadd.tile.s32 @!p0 $0x1;
	_ =	shalt  }
.Lfunc_end2:
_tile_overlayer_lowered:
.L_overlay_start_2:
0x8d: {  	(tag) =	ssettag $0x2  }
0x8e: {  	s0 =	rddreg [dreg:$0x0];
	s2 =	stileid.u32  }
0x8f: {  	s1 =	rddreg [dreg:$0x1];
	p0 =	sne.s32 s2, $0x0  }
0x90: {  	s3 =	rddreg [dreg:$0x2];
	[bflag:$0x3] =	sbarrier.arrive $0xFFFF;
	s2 =	simm.s32 @!p0 $0x1C05  }
0x91: {  	[timem:s3], [sflag:s2] =	dma.local @!p0 [hbm:s0], s1  }
0x92: {  	s0 =	simm.s32 @!p0 $0x5  }
0x93: {  	_ =	swait.ge @!p0 [sflag:s0], s1  }
0x94: {  	s1 =	ssub.s32 @!p0 $0x0, s1;
	[sflag:s0] =	ssyncset.done @!p0 $0x0  }
0x95: {  	[sflag:s0] =	ssyncadd.s32 @!p0 s1  }
0x96: {  	[bflag:$0x3] =	sbarrier.arrive $0xFFFF  }
0x97: {  	_ =	shalt  }

// kernel: kernel.20.cloned.1.call-start
scs
__scs_entry_jumppad:
0x0: {  	(pc) =	sbr.rel $0x88, $3  }
0x1: {  	(tag) =	ssettag $0x0;
	lr =	simm.s32 $0x1  }
0x2: {  	[smem:$0x3F9B] =	sst lr;
	_ =	strace $0xD0000000  }
0x3: {  	_ = 	snop  }
0x4: {  	_ = 	snop  }
0x5: {  	_ = 	snop  }
0x6: {  	_ = 	snop  }
0x7: {  	_ = 	snop  }
__scs_overlays_trampoline_lowered:
0x8: {  	[smem:$0x3FAA] =	sst s0  }
0x9: {  	[smem:$0x3FAB] =	sst s1  }
0xa: {  	[smem:$0x3FAC] =	sst s2  }
0xb: {  	[smem:$0x3FAD] =	sst s3  }
0xc: {  	[smem:$0x3FAE] =	sst s4  }
0xd: {  	[smem:$0x3FAF] =	sst s5  }
0xe: {  	[smem:$0x3FB0] =	sst s6  }
0xf: {  	[smem:$0x3FB1] =	sst s7  }
0x10: {  	[smem:$0x3FB2] =	sst s8  }
0x11: {  	[smem:$0x3FB3] =	sst s9;
	s0 =	simm.s32 @!p0 $0x0  }
0x12: {  	s1 =	sld [smem:$0x3F99];
	s0 =	simm.s32 @p0 $0x1  }
0x13: {  	[smem:$0x3FB4] =	sst s0;
	s0 =	simm.s32 @!p1 $0x0  }
0x14: {  	s2 =	sld [smem:$0x3F98];
	s0 =	simm.s32 @p1 $0x1  }
0x15: {  	[smem:$0x3FB5] =	sst s0;
	s0 =	simm.s32 @!p2 $0x0  }
0x16: {  	s3 =	sld [smem:$0x3FDB];
	s0 =	simm.s32 @p2 $0x1  }
0x17: {  	s4 =	simm.s32 $0x1BF5;
	[smem:$0x3FB7] =	sst s0  }
0x18: {  	s0 =	sld [smem:$0x3F9A];
	_ =	swait.ge [sflag:s4], $0x0  }
0x19: {  	s7 =	sld [smem:$0x3F9B]  }
0x1a: {  	s8 =	sadd.s32 $0xFFFFE003, lr  }
0x1b: {  	s9 =	sadd.s32 $0xFFFFFEF7, lr;
	s5 =	simm.s32 $0xFFFFFFFF;
	p2 =	slt.u32 s8, $0xFFFFF086  }
0x1c: {  	p1 =	slt.u32 s9, $0xF7A;
	s5 =	simm.s32 @!p2 $0x0  }
0x1d: {  	s5 =	simm.s32 @p1 $0x1;
	p0 =	seq.s32 s7, s2  }
0x1e: {  	s7 =	smul.u32 @!p0 $0xF7A, s2;
	p2 =	seq.s32 @!p0 s5, $0x0  }
0x1f: {  	s9 =	smul.u32 $0xF7A, s1;
	s8 =	simm.s32 @!p0 $0x1BF5;
	p2 =	por !p2, p0  }
0x20: {  	[sflag:s8] =	ssyncset.s32 @!p0 $0xFFFFF086;
	s6 =	sadd.s32 @!p0 s3, s7;
	s7 =	simm.s32 @!p0 $0x108  }
0x21: {  	s3 =	sadd.s32 s3, s9;
	s6 =	sadd.s32 @!p0 $0x88, s6;
	s7 =	simm.s32 @p2 $0x1082  }
0x22: {  	[simem:s7], [sflag:s8] =	dma.local @!p0 [hbm:s6], $0xF7A  }
0x23: {  	s9 =	sor.u32 $0xD0000000, s2;
	s6 =	simm.s32 $0x108;
	_ =	swait.ge @!p0 [sflag:s8], $0x0  }
0x24: {  	s3 =	sadd.s32 $0x88, s3;
	s6 =	simm.s32 @!p1 $0x1082;
	[sflag:s4] =	ssyncset.s32 $0xFFFFF086  }
0x25: {  	[simem:s6], [sflag:s4] =	dma.local [hbm:s3], $0xF7A  }
0x26: {  	[smem:$0x3F9B] =	sst s1;
	(tag) =	ssettag s2;
	_ =	strace s9  }
0x27: {  	s1 =	sld [smem:$0x3FAB]  }
0x28: {  	s2 =	sld [smem:$0x3FAC]  }
0x29: {  	s4 =	sld [smem:$0x3FAE]  }
0x2a: {  	p0 =	seq.s32 s5, $0x0;
	s5 =	sld [smem:$0x3FAF]  }
0x2b: {  	s6 =	sld [smem:$0x3FB0]  }
0x2c: {  	s7 =	sld [smem:$0x3FB1]  }
0x2d: {  	s3 =	simm.s32 $0x108;
	s8 =	sld [smem:$0x3FB2]  }
0x2e: {  	s3 =	simm.s32 @!p0 $0x1082;
	s9 =	sld [smem:$0x3FB3]  }
0x2f: {  	lr =	sadd.s32 s0, s3;
	s0 =	sld [smem:$0x3FAA]  }
0x30: {  	s3 =	sld [smem:$0x3FAD]  }
0x31: {  	[smem:$0x3FB6] =	sst s10  }
0x32: {  	s10 =	sld [smem:$0x3FB4];
	_ =	sdelay $0x3  }
0x33: {  	p0 =	seq.s32 s10, $0x1;
	s10 =	sld [smem:$0x3FB6];
	_ =	sdelay $0x3  }
0x34: {  	[smem:$0x3FB6] =	sst s10  }
0x35: {  	s10 =	sld [smem:$0x3FB5];
	_ =	sdelay $0x3  }
0x36: {  	p1 =	seq.s32 s10, $0x1;
	s10 =	sld [smem:$0x3FB6];
	_ =	sdelay $0x3  }
0x37: {  	[smem:$0x3FB6] =	sst s10  }
0x38: {  	s10 =	sld [smem:$0x3FB7]  }
0x39: {  	_ = 	snop;
	(pc) =	sbr.ind lr, $3  }
0x3a: {  	_ = 	snop  }
0x3b: {  	_ = 	snop  }
0x3c: {  	p2 =	seq.s32 s10, $0x1;
	s10 =	sld [smem:$0x3FB6]  }
0x3d: {  	_ =	shalt  }
0x3e: {  	_ =	shalt  }
0x3f: {  	_ =	shalt  }
0x40: {  	_ =	shalt  }
0x41: {  	_ =	shalt  }
0x42: {  	_ =	shalt  }
0x43: {  	_ =	shalt  }
0x44: {  	_ =	shalt  }
0x45: {  	_ =	shalt  }
0x46: {  	_ =	shalt  }
0x47: {  	_ =	shalt  }
0x48: {  	_ =	shalt  }
0x49: {  	_ =	shalt  }
0x4a: {  	_ =	shalt  }
0x4b: {  	_ =	shalt  }
0x4c: {  	_ =	shalt  }
0x4d: {  	_ =	shalt  }
0x4e: {  	_ =	shalt  }
0x4f: {  	_ =	shalt  }
0x50: {  	_ =	shalt  }
0x51: {  	_ =	shalt  }
0x52: {  	_ =	shalt  }
0x53: {  	_ =	shalt  }
0x54: {  	_ =	shalt  }
0x55: {  	_ =	shalt  }
0x56: {  	_ =	shalt  }
0x57: {  	_ =	shalt  }
0x58: {  	_ =	shalt  }
0x59: {  	_ =	shalt  }
0x5a: {  	_ =	shalt  }
0x5b: {  	_ =	shalt  }
0x5c: {  	_ =	shalt  }
0x5d: {  	_ =	shalt  }
0x5e: {  	_ =	shalt  }
0x5f: {  	_ =	shalt  }
0x60: {  	_ =	shalt  }
0x61: {  	_ =	shalt  }
0x62: {  	_ =	shalt  }
0x63: {  	_ =	shalt  }
0x64: {  	_ =	shalt  }
0x65: {  	_ =	shalt  }
0x66: {  	_ =	shalt  }
0x67: {  	_ =	shalt  }
0x68: {  	_ =	shalt  }
0x69: {  	_ =	shalt  }
0x6a: {  	_ =	shalt  }
0x6b: {  	_ =	shalt  }
0x6c: {  	_ =	shalt  }
0x6d: {  	_ =	shalt  }
0x6e: {  	_ =	shalt  }
0x6f: {  	_ =	shalt  }
0x70: {  	_ =	shalt  }
0x71: {  	_ =	shalt  }
0x72: {  	_ =	shalt  }
0x73: {  	_ =	shalt  }
0x74: {  	_ =	shalt  }
0x75: {  	_ =	shalt  }
0x76: {  	_ =	shalt  }
0x77: {  	_ =	shalt  }
0x78: {  	_ =	shalt  }
0x79: {  	_ =	shalt  }
0x7a: {  	_ =	shalt  }
0x7b: {  	_ =	shalt  }
0x7c: {  	_ =	shalt  }
0x7d: {  	_ =	shalt  }
0x7e: {  	_ =	shalt  }
0x7f: {  	_ =	shalt  }
0x80: {  	_ =	shalt  }
0x81: {  	_ =	shalt  }
0x82: {  	_ =	shalt  }
0x83: {  	_ =	shalt  }
0x84: {  	_ =	shalt  }
0x85: {  	_ =	shalt  }
0x86: {  	_ =	shalt  }
0x87: {  	_ =	shalt  }
.Lfunc_end0:
.L_simem_size_0:
called_computation.3_lowered:
.L_overlay_start_0:
0x88: {  	s2 =	sld [smem:$0x3FD9]  }
0x89: {  	s3 =	sld [smem:$0x3FFE];
	_ =	sdelay $0x1  }
0x8a: {  	s1 =	srdreg.scid  }
0x8b: {  	s0 =	sand.u32 $0x1, s1  }
0x8c: {  	s17 =	sshll.u32 s0, $0xA;
	s2 =	sadd.s32 s3, s2  }
0x8d: {  	s2 =	sadd.s32 s2, s17  }
0x8e: {  	[smem:$0x3FC2] =	sst s2  }
0x8f: {  	_ = 	snop  }
0x90: {  	(tm) =	ssettm $0x1  }
0x91: {  	s18 =	sld [smem:$0x3FFB];
	_ =	sdelay $0x3  }
0x92: {  	_ =	strace s18  }
0x93: {  	s2 =	sld [smem:$0x3FFC];
	_ =	sdelay $0x3  }
0x94: {  	_ =	strace s2  }
0x95: {  	s2 =	sld [smem:$0x3FFD];
	_ =	sdelay $0x3  }
0x96: {  	_ =	strace s2  }
0x97: {  	_ =	strace $0x8FFFFFFF  }
0x98: {  	s19 =	sld [smem:$0x3FDB];
	_ =	sdelay $0x1  }
0x99: {  	s20 =	simm.s32 $_scs_section_size  }
0x9a: {  	s4 =	simm.s32 $_size__tile_overlayer_lowered;
	s5 =	simm.s32 $_tile_overlayer_lowered  }
0x9b: {  	s6 =	simm.s32 $0x1BFF;
	s21 =	sshll.u32 s5, $0x1;
	s3 =	sadd.s32 s20, s19  }
0x9c: {  	s22 =	simm.s32 $0x0;
	s4 =	sshll.u32 s4, $0x1;
	s5 =	sadd.s32 s21, s3  }
0x9d: {  	[timem:s22], [sflag:s6] =	dma.local [hbm:s5], s4  }
0x9e: {  	_ =	swait.ge [sflag:s6], s4  }
0x9f: {  	s4 =	ssub.s32 $0x0, s4;
	[sflag:s6] =	ssyncset.done $0x0  }
0xa0: {  	[sflag:s6] =	ssyncadd.s32 s4;
	_ =	sdelay $0x1  }
0xa1: {  	s23 =	simm.s32 $0x1B8B  }
0xa2: {  	_ =	swait.ge [sflag:s23], $0x1  }
0xa3: {  	[sflag:s23] =	ssyncset.done $0x0  }
0xa4: {  	[sflag:s23] =	ssyncadd.s32 $0xFFFFFFFF  }
0xa5: {  	s4 =	sld [smem:$0x0]  }
0xa6: {  	s5 =	sand.u32 $0xFFFFFFFE, s1  }
0xa7: {  	p0 =	sne.s32 s1, s5  }
0xa8: {  	s5 =	sshll.u32 @p0 s5, $0xE  }
0xa9: {  	s5 =	sadd.s32 @p0 $0x11B8D, s5;
	s6 =	sshll.u32 @p0 s4, $0x11  }
0xaa: {  	s5 =	sor.u32 @p0 s6, s5  }
0xab: {  	[sflag:s5] =	ssyncadd.remote.s32 @p0 $0x1;
	_ =	sdelay $0x1  }
0xac: {  	s5 =	simm.s32 @p0 $0x1B8D  }
0xad: {  	_ =	swait.eq @p0 [sflag:s5], $0x1  }
0xae: {  	[sflag:s5] =	ssyncadd.s32 @p0 $0xFFFFFFFF  }
0xaf: {  	s6 =	sshll.u32 @!p0 s1, $0xE  }
0xb0: {  	s6 =	sor.u32 @!p0 $0x4000, s6;
	s5 =	simm.s32 @!p0 $0x1B8D  }
0xb1: {  	s4 =	sshll.u32 @!p0 s4, $0x11;
	s6 =	sadd.s32 @!p0 $0x11B8D, s6;
	_ =	swait.eq @!p0 [sflag:s5], $0x1  }
0xb2: {  	s4 =	sor.u32 @!p0 s4, s6;
	[sflag:s5] =	ssyncadd.s32 @!p0 $0xFFFFFFFF  }
0xb3: {  	s25 =	simm.s32 $0x1B8E;
	s24 =	sld [smem:$0x3FFE];
	[sflag:s4] =	ssyncadd.remote.s32 @!p0 $0x1  }
0xb4: {  	s26 =	simm.s32 $execute0_lowered;
	[smem:$0x3FD2] =	sst s25  }
0xb5: {  	s5 =	sshll.u32 s26, $0x1;
	_ =	strace $0x8000004C;
	[dreg:$0x1] =	wrdreg $0xFFFFFFFF  }
0xb6: {  	s28 =	simm.s32 $_size_execute0_lowered;
	s3 =	sadd.s32 s3, s5;
	[dreg:$0x0] =	wrdreg $0x0  }
0xb7: {  	s5 =	sshll.u32 s28, $0x1;
	[dreg:$0x2] =	wrdreg s3  }
0xb8: {  	[dreg:$0x3] =	wrdreg s5  }
0xb9: {  	[dreg:$0x4] =	wrdreg $0xC0  }
0xba: {  	_ =	task [dreg:s22], $0x5FFFF  }
0xbb: {  	[dreg:$0x1] =	wrdreg $0xFFFFFFFF  }
0xbc: {  	[dreg:$0x0] =	wrdreg $0x60  }
0xbd: {  	[dreg:$0x2] =	wrdreg s24  }
0xbe: {  	[dreg:$0x3] =	wrdreg $0xC  }
0xbf: {  	_ =	task.clear_ibuf [dreg:s22], $0x4FFFF;
	_ =	strace $0x9000004C  }
0xc0: {  	s29 =	simm.s32 $0xC;
	_ =	strace $0x8000004E  }
0xc1: {  	_ =	swait.ge [sflag:s29], $0x1  }
0xc2: {  	[sflag:s29] =	ssyncadd.s32 $0xFFFFFFFF  }
0xc3: {  	_ =	strace $0x9000004E  }
0xc4: {  	_ =	sfence  }
0xc5: {  	s30 =	sld [smem:$0x0];
	_ =	sdelay $0x2  }
0xc6: {  	s31 =	sshll.u32 s1, $0xD;
	s1 =	sshrl.u32 s1, $0x2  }
0xc7: {  	s4 =	sand.u32 $0x4000, s31;
	s1 =	sadd.s32 s1, s30  }
0xc8: {  	s0 =	sor.u32 s4, s0;
	s1 =	sshll.u32 s1, $0x11  }
0xc9: {  	s0 =	sor.u32 s1, s0  }
0xca: {  	s0 =	sadd.s32 $0x8F2B, s0  }
0xcb: {  	[sflag:s0] =	ssyncadd.remote.s32 $0x1  }
0xcc: {  	_ =	sfence.sel $0xFFFF  }
0xcd: {  	[dreg:$0x0] =	wrdreg $0xFFFFFFFF;
	(pc) =	sbr.abs _section_cstart, $3  }
0xce: {  	[dreg:$0x1] =	wrdreg $0xFFFFFFFF  }
0xcf: {  	_ =	task.clear_ibuf [dreg:s22], $0x2FFFF;
	_ =	strace $0x9FFFFFFF  }
0xd0: {  	(tm) =	ssettm $0x7FFFFFFF  }
0xd1: {  	_ =	shalt  }
tec
execute0_lowered:
.L_overlay_start_1:
0x0: {  	(tag) =	ssettag $0x1  }
0x1: {  	s1 =	srdreg.scid;
	s0 =	stileid.u32  }
0x2: {  	s21 =	sand.u32 $0x1, s1;
	s24 =	sshll.u32 s0, $0x1  }
0x3: {  	s11 =	sor.u32 s21, s24  }
0x4: {  	s18 =	smul.u32 $0x1F40, s11  }
0x5: {  	s12 =	rddreg [dreg:$0x0];
	s2 =	simm.s32 $0x0;
	s4 =	simm.s32 $0x5  }
0x6: {  	[smem:$0x7FF] =	sst s2;
	s19 =	sadd.s32 $0x139200, s12;
	s3 =	sshrl.u32 s18, $0x3  }
0x7: {  	s1 =	rddreg [dreg:$0x1];
	_ =	strace $0x8000004D;
	s3 =	sadd.s32 s19, s3  }
0x8: {  	[tilespmem:s2], [sflag:$0x5] =	stream.linear.gather [hbm4b:s3+s2], $0x640, $0x38;
	[tilespmem:$0x19C80] =	vst v63  }
0x9: {  	s6 =	simm.s32 $0x640;
	_ =	swait.ge [sflag:s4], $0x640  }
0xa: {  	s7 =	simm.s32 $0xC80;
	s15 =	sadd.s32 $0x640, s18;
	[sflag:s4] =	ssyncset.done $0x0  }
0xb: {  	s5 =	sadd.s32 $0x4E00, s12;
	s8 =	sshrl.u32 s15, $0x3;
	[sflag:s4] =	ssyncadd.s32 $0xFFFFF9C0  }
0xc: {  	[tilespmem:s7], [sflag:$0x1] =	stream.indirect.gather [hbm4b:s5+s6], $0x20, s2, s6, $0xb8;
	[tilespmem:$0x19C80] =	vst v63  }
0xd: {  	s8 =	sadd.s32 s19, s8  }
0xe: {  	[tilespmem:s6], [sflag:$0x5] =	stream.linear.gather [hbm4b:s8+s2], $0x640, $0x38;
	[tilespmem:$0x19C80] =	vst v63  }
0xf: {  	_ =	swait.ge [sflag:s4], $0x640  }
0x10: {  	[sflag:s4] =	ssyncset.done $0x0  }
0x11: {  	s9 =	simm.s32 $0xD480;
	s10 =	simm.s32 $0x1;
	[sflag:s4] =	ssyncadd.s32 $0xFFFFF9C0  }
0x12: {  	[tilespmem:s9], [sflag:$0x2] =	stream.indirect.gather [hbm4b:s5+s6], $0x20, s6, s6, $0xb8;
	[tilespmem:$0x19C80] =	vst v63  }
0x13: {  	s11 =	smul.u32 $0x7D00, s11;
	_ =	swait.ge [sflag:s10], $0xC800  }
0x14: {  	s22 =	sadd.s32 $0x141000, s12;
	s20 =	sadd.s32 $0xC80, s18;
	[sflag:s10] =	ssyncset.done $0x0  }
0x15: {  	s11 =	sadd.s32 s22, s11;
	s25 =	sshrl.u32 s20, $0x3;
	[sflag:s10] =	ssyncadd.s32 $0xFFFF3800  }
0x16: {  	[hbm4b:s11+s2] =	stream.linear.scatter [tilespmem:s7], [sflag:$0x3], $0xC800, $0x38;
	[tilespmem:$0x19C80] =	vst v63  }
0x17: {  	s12 =	sadd.s32 s19, s25  }
0x18: {  	[tilespmem:s2], [sflag:$0x5] =	stream.linear.gather [hbm4b:s12+s2], $0x640, $0x38;
	[tilespmem:$0x19C80] =	vst v63  }
0x19: {  	_ =	swait.ge [sflag:s4], $0x640  }
0x1a: {  	[sflag:s4] =	ssyncset.done $0x0  }
0x1b: {  	s13 =	simm.s32 $0x3;
	[sflag:s4] =	ssyncadd.s32 $0xFFFFF9C0  }
0x1c: {  	_ =	swait.ge [sflag:s13], $0xC800  }
0x1d: {  	[sflag:s13] =	ssyncset.done $0x0  }
0x1e: {  	s14 =	simm.s32 $0x2;
	[sflag:s13] =	ssyncadd.s32 $0xFFFF3800  }
0x1f: {  	[tilespmem:s7], [sflag:$0x1] =	stream.indirect.gather [hbm4b:s5+s6], $0x20, s2, s6, $0xb8;
	[tilespmem:$0x19C80] =	vst v63  }
0x20: {  	_ =	swait.ge [sflag:s14], $0xC800  }
0x21: {  	s23 =	sadd.s32 $0x12C0, s18;
	s15 =	sshll.u32 s15, $0x2;
	[sflag:s14] =	ssyncset.done $0x0  }
0x22: {  	s16 =	sshrl.u32 s23, $0x3;
	s15 =	sadd.s32 s22, s15;
	[sflag:s14] =	ssyncadd.s32 $0xFFFF3800  }
0x23: {  	[hbm4b:s15+s2] =	stream.linear.scatter [tilespmem:s9], [sflag:$0x4], $0xC800, $0x38;
	[tilespmem:$0x19C80] =	vst v63  }
0x24: {  	s16 =	sadd.s32 s19, s16  }
0x25: {  	[tilespmem:s6], [sflag:$0x5] =	stream.linear.gather [hbm4b:s16+s2], $0x640, $0x38;
	[tilespmem:$0x19C80] =	vst v63  }
0x26: {  	_ =	swait.ge [sflag:s4], $0x640  }
0x27: {  	[sflag:s4] =	ssyncset.done $0x0  }
0x28: {  	s17 =	simm.s32 $0x4;
	[sflag:s4] =	ssyncadd.s32 $0xFFFFF9C0  }
0x29: {  	_ =	swait.ge [sflag:s17], $0xC800  }
0x2a: {  	[sflag:s17] =	ssyncset.done $0x0  }
0x2b: {  	[sflag:s17] =	ssyncadd.s32 $0xFFFF3800  }
0x2c: {  	[tilespmem:s9], [sflag:$0x2] =	stream.indirect.gather [hbm4b:s5+s6], $0x20, s6, s6, $0xb8;
	[tilespmem:$0x19C80] =	vst v63  }
0x2d: {  	_ =	swait.ge [sflag:s10], $0xC800  }
0x2e: {  	s24 =	sadd.s32 $0x1900, s18;
	s20 =	sshll.u32 s20, $0x2;
	[sflag:s10] =	ssyncset.done $0x0  }
0x2f: {  	s26 =	sshrl.u32 s24, $0x3;
	s18 =	sadd.s32 s22, s20;
	[sflag:s10] =	ssyncadd.s32 $0xFFFF3800  }
0x30: {  	[hbm4b:s18+s2] =	stream.linear.scatter [tilespmem:s7], [sflag:$0x3], $0xC800, $0x38;
	[tilespmem:$0x19C80] =	vst v63  }
0x31: {  	s19 =	sadd.s32 s19, s26  }
0x32: {  	[tilespmem:s2], [sflag:$0x5] =	stream.linear.gather [hbm4b:s19+s2], $0x640, $0x38;
	[tilespmem:$0x19C80] =	vst v63  }
0x33: {  	_ =	swait.ge [sflag:s4], $0x640  }
0x34: {  	[sflag:s4] =	ssyncset.done $0x0  }
0x35: {  	[sflag:s4] =	ssyncadd.s32 $0xFFFFF9C0  }
0x36: {  	_ =	swait.ge [sflag:s13], $0xC800  }
0x37: {  	[sflag:s13] =	ssyncset.done $0x0  }
0x38: {  	[sflag:s13] =	ssyncadd.s32 $0xFFFF3800  }
0x39: {  	[tilespmem:s7], [sflag:$0x1] =	stream.indirect.gather [hbm4b:s5+s6], $0x20, s2, s6, $0xb8;
	[tilespmem:$0x19C80] =	vst v63  }
0x3a: {  	s30 =	ssub.s32 $0x2, s21;
	_ =	swait.ge [sflag:s14], $0xC800  }
0x3b: {  	s31 =	sshrl.u32 s30, $0x1;
	s28 =	sshll.u32 s23, $0x2;
	[sflag:s14] =	ssyncset.done $0x0  }
0x3c: {  	s29 =	sshll.u32 s24, $0x2;
	s20 =	sadd.s32 s22, s28;
	[sflag:s14] =	ssyncadd.s32 $0xFFFF3800  }
0x3d: {  	[hbm4b:s20+s2] =	stream.linear.scatter [tilespmem:s9], [sflag:$0x4], $0xC800, $0x38;
	[tilespmem:$0x19C80] =	vst v63  }
0x3e: {  	s21 =	sadd.s32 s22, s29;
	s22 =	ssub.s32 s30, s31;
	_ =	swait.ge [sflag:s10], $0xC800  }
0x3f: {  	s22 =	smax.u32 s22, $0x1;
	[sflag:s10] =	ssyncset.done $0x0  }
0x40: {  	p0 =	sne.s32 s22, $0x1;
	[sflag:s10] =	ssyncadd.s32 $0xFFFF3800  }
0x41: {  	[hbm4b:s21+s2] =	stream.linear.scatter [tilespmem:s7], [sflag:$0x3], $0xC800, $0x38;
	[tilespmem:$0x19C80] =	vst v63  }
.Ltmp0:
0x42: {  	_ =	swait.ge [sflag:s17], $0xC800;
	(pc) =	sbr.rel @!p0 .LBB2_2-.Ltmp0, $4  }
0x43: {  	[sflag:s17] =	ssyncset.done $0x0  }
0x44: {  	[sflag:s17] =	ssyncadd.s32 $0xFFFF3800  }
0x45: {  	_ =	swait.ge [sflag:s13], $0xC800  }
0x46: {  	s22 =	sadd.s32 $0xFFFFFFFF, s22;
	[sflag:s13] =	ssyncset.done $0x0  }
.LBB2_1:
0x47: {  	p0 =	sne.s32 s22, $0x1;
	s22 =	sadd.s32 $0xFFFFFFFF, s22;
	[sflag:s13] =	ssyncadd.s32 $0xFFFF3800  }
0x48: {  	[tilespmem:s2], [sflag:$0x5] =	stream.linear.gather [hbm4b:s3+s2], $0x640, $0x38;
	[tilespmem:$0x19C80] =	vst v63  }
0x49: {  	_ =	swait.ge [sflag:s4], $0x640  }
0x4a: {  	[sflag:s4] =	ssyncset.done $0x0  }
0x4b: {  	[sflag:s4] =	ssyncadd.s32 $0xFFFFF9C0  }
0x4c: {  	[tilespmem:s7], [sflag:$0x1] =	stream.indirect.gather [hbm4b:s5+s6], $0x20, s2, s6, $0xb8;
	[tilespmem:$0x19C80] =	vst v63  }
0x4d: {  	_ = 	snop  }
0x4e: {  	[tilespmem:s6], [sflag:$0x5] =	stream.linear.gather [hbm4b:s8+s2], $0x640, $0x38;
	[tilespmem:$0x19C80] =	vst v63  }
0x4f: {  	_ =	swait.ge [sflag:s4], $0x640  }
0x50: {  	[sflag:s4] =	ssyncset.done $0x0  }
0x51: {  	[sflag:s4] =	ssyncadd.s32 $0xFFFFF9C0  }
0x52: {  	[tilespmem:s9], [sflag:$0x2] =	stream.indirect.gather [hbm4b:s5+s6], $0x20, s6, s6, $0xb8;
	[tilespmem:$0x19C80] =	vst v63  }
0x53: {  	_ =	swait.ge [sflag:s10], $0xC800  }
0x54: {  	[sflag:s10] =	ssyncset.done $0x0  }
0x55: {  	[sflag:s10] =	ssyncadd.s32 $0xFFFF3800  }
0x56: {  	[hbm4b:s11+s2] =	stream.linear.scatter [tilespmem:s7], [sflag:$0x3], $0xC800, $0x38;
	[tilespmem:$0x19C80] =	vst v63  }
0x57: {  	_ = 	snop  }
0x58: {  	[tilespmem:s2], [sflag:$0x5] =	stream.linear.gather [hbm4b:s12+s2], $0x640, $0x38;
	[tilespmem:$0x19C80] =	vst v63  }
0x59: {  	_ =	swait.ge [sflag:s4], $0x640  }
0x5a: {  	[sflag:s4] =	ssyncset.done $0x0  }
0x5b: {  	[sflag:s4] =	ssyncadd.s32 $0xFFFFF9C0  }
0x5c: {  	_ =	swait.ge [sflag:s13], $0xC800  }
0x5d: {  	[sflag:s13] =	ssyncset.done $0x0  }
0x5e: {  	[sflag:s13] =	ssyncadd.s32 $0xFFFF3800  }
0x5f: {  	[tilespmem:s7], [sflag:$0x1] =	stream.indirect.gather [hbm4b:s5+s6], $0x20, s2, s6, $0xb8;
	[tilespmem:$0x19C80] =	vst v63  }
0x60: {  	_ =	swait.ge [sflag:s14], $0xC800  }
0x61: {  	[sflag:s14] =	ssyncset.done $0x0  }
0x62: {  	[sflag:s14] =	ssyncadd.s32 $0xFFFF3800  }
0x63: {  	[hbm4b:s15+s2] =	stream.linear.scatter [tilespmem:s9], [sflag:$0x4], $0xC800, $0x38;
	[tilespmem:$0x19C80] =	vst v63  }
0x64: {  	_ = 	snop  }
0x65: {  	[tilespmem:s6], [sflag:$0x5] =	stream.linear.gather [hbm4b:s16+s2], $0x640, $0x38;
	[tilespmem:$0x19C80] =	vst v63  }
0x66: {  	_ =	swait.ge [sflag:s4], $0x640  }
0x67: {  	[sflag:s4] =	ssyncset.done $0x0  }
0x68: {  	[sflag:s4] =	ssyncadd.s32 $0xFFFFF9C0  }
0x69: {  	_ =	swait.ge [sflag:s17], $0xC800  }
0x6a: {  	[sflag:s17] =	ssyncset.done $0x0  }
0x6b: {  	[sflag:s17] =	ssyncadd.s32 $0xFFFF3800  }
0x6c: {  	[tilespmem:s9], [sflag:$0x2] =	stream.indirect.gather [hbm4b:s5+s6], $0x20, s6, s6, $0xb8;
	[tilespmem:$0x19C80] =	vst v63  }
0x6d: {  	_ =	swait.ge [sflag:s10], $0xC800  }
0x6e: {  	[sflag:s10] =	ssyncset.done $0x0  }
0x6f: {  	[sflag:s10] =	ssyncadd.s32 $0xFFFF3800  }
0x70: {  	[hbm4b:s18+s2] =	stream.linear.scatter [tilespmem:s7], [sflag:$0x3], $0xC800, $0x38;
	[tilespmem:$0x19C80] =	vst v63  }
0x71: {  	_ = 	snop  }
0x72: {  	[tilespmem:s2], [sflag:$0x5] =	stream.linear.gather [hbm4b:s19+s2], $0x640, $0x38;
	[tilespmem:$0x19C80] =	vst v63  }
0x73: {  	_ =	swait.ge [sflag:s4], $0x640  }
0x74: {  	[sflag:s4] =	ssyncset.done $0x0  }
0x75: {  	[sflag:s4] =	ssyncadd.s32 $0xFFFFF9C0  }
0x76: {  	_ =	swait.ge [sflag:s13], $0xC800  }
0x77: {  	[sflag:s13] =	ssyncset.done $0x0  }
0x78: {  	[sflag:s13] =	ssyncadd.s32 $0xFFFF3800  }
0x79: {  	[tilespmem:s7], [sflag:$0x1] =	stream.indirect.gather [hbm4b:s5+s6], $0x20, s2, s6, $0xb8;
	[tilespmem:$0x19C80] =	vst v63  }
0x7a: {  	_ =	swait.ge [sflag:s14], $0xC800  }
0x7b: {  	[sflag:s14] =	ssyncset.done $0x0  }
0x7c: {  	[sflag:s14] =	ssyncadd.s32 $0xFFFF3800  }
0x7d: {  	[hbm4b:s20+s2] =	stream.linear.scatter [tilespmem:s9], [sflag:$0x4], $0xC800, $0x38;
	[tilespmem:$0x19C80] =	vst v63  }
0x7e: {  	_ =	swait.ge [sflag:s10], $0xC800  }
0x7f: {  	[sflag:s10] =	ssyncset.done $0x0  }
0x80: {  	[sflag:s10] =	ssyncadd.s32 $0xFFFF3800  }
0x81: {  	[hbm4b:s21+s2] =	stream.linear.scatter [tilespmem:s7], [sflag:$0x3], $0xC800, $0x38;
	[tilespmem:$0x19C80] =	vst v63  }
.Ltmp1:
0x82: {  	_ =	swait.ge [sflag:s17], $0xC800;
	(pc) =	sbr.rel @p0 .LBB2_1-.Ltmp1, $4  }
0x83: {  	[sflag:s17] =	ssyncset.done $0x0  }
0x84: {  	[sflag:s17] =	ssyncadd.s32 $0xFFFF3800  }
0x85: {  	_ =	swait.ge [sflag:s13], $0xC800  }
0x86: {  	[sflag:s13] =	ssyncset.done $0x0  }
.LBB2_2:
0x87: {  	[sflag:s13] =	ssyncadd.s32 $0xFFFF3800  }
0x88: {  	_ =	sfence.sel $0x180000  }
0x89: {  	[bflag:$0x0] =	sbarrier.arrive $0xFFFF  }
0x8a: {  	p0 =	sne.s32 s0, $0x0;
	_ =	strace $0x9000004D  }
0x8b: {  	s0 =	sadd.s32 @!p0 $0x100000, s1;
	[bflag:$0x2] =	sbarrier.arrive $0xFFFF  }
0x8c: {  	[sflag:s0] =	ssyncadd.tile.s32 @!p0 $0x1;
	_ =	shalt  }
.Lfunc_end2:
_tile_overlayer_lowered:
.L_overlay_start_2:
0x8d: {  	(tag) =	ssettag $0x2  }
0x8e: {  	s0 =	rddreg [dreg:$0x0];
	s2 =	stileid.u32  }
0x8f: {  	s1 =	rddreg [dreg:$0x1];
	p0 =	sne.s32 s2, $0x0  }
0x90: {  	s3 =	rddreg [dreg:$0x2];
	[bflag:$0x3] =	sbarrier.arrive $0xFFFF;
	s2 =	simm.s32 @!p0 $0x1C05  }
0x91: {  	[timem:s3], [sflag:s2] =	dma.local @!p0 [hbm:s0], s1  }
0x92: {  	s0 =	simm.s32 @!p0 $0x5  }
0x93: {  	_ =	swait.ge @!p0 [sflag:s0], s1  }
0x94: {  	s1 =	ssub.s32 @!p0 $0x0, s1;
	[sflag:s0] =	ssyncset.done @!p0 $0x0  }
0x95: {  	[sflag:s0] =	ssyncadd.s32 @!p0 s1  }
0x96: {  	[bflag:$0x3] =	sbarrier.arrive $0xFFFF  }
0x97: {  	_ =	shalt  }

</sc_bundles>
